<compile_context>
chip_gen: v7x
topology: tpu7x:2x2x1
jax: 0.10.2.dev20260603
libtpu: 0.0.44.dev20260713+nightly
codegen_flags: <defaults>
</compile_context>

<pallas_src>
import functools

import jax
import jax.numpy as jnp
from jax import lax
from jax.experimental import pallas as pl
from jax.experimental.pallas import tpu as pltpu
from jax.experimental.pallas import tpu_sc as plsc

B, L = 4, 2048
V, H, T = 100000, 768, 32
TYPE_V, MAX_VISITS, SEG_V = 9, 512, 3
EPS = 1e-12
N = B * L


_CH = 32


_NBUF = 4


def _sc_gather_body(table_hbm, idx_hbm, out_hbm, idx_v, rows_v, *sems):
    info = plsc.get_sparse_core_info()
    nw = info.num_cores * info.num_subcores
    b_per_w = N // nw
    n_ch = b_per_w // _CH
    wpr = L // b_per_w
    wid = lax.axis_index("s") * info.num_cores + lax.axis_index("c")
    base = wid * b_per_w
    gsems, wsems = sems[:_NBUF], sems[_NBUF:]
    pltpu.sync_copy(
        idx_hbm.at[wid // wpr, pl.ds((wid % wpr) * b_per_w, b_per_w)], idx_v)

    def gather(c):
        return pltpu.async_copy(
            table_hbm.at[idx_v.at[pl.ds(c * _CH, _CH)]],
            rows_v.at[c % _NBUF], gsems[c % _NBUF])

    gathers = [gather(c) for c in range(min(_NBUF, n_ch))]
    writes = [None] * _NBUF
    for c in range(n_ch):
        bi = c % _NBUF
        gathers[bi].wait()
        writes[bi] = pltpu.async_copy(
            rows_v.at[bi], out_hbm.at[pl.ds(base + c * _CH, _CH)], wsems[bi])
        if c + _NBUF < n_ch:
            writes[bi].wait()
            gathers[bi] = gather(c + _NBUF)
    for c in range(max(0, n_ch - _NBUF), n_ch):
        writes[c % _NBUF].wait()


def _sc_gather(table, ids):
    info = plsc.get_sparse_core_info()
    nw = info.num_cores * info.num_subcores
    b_per_w = N // nw
    mesh = plsc.VectorSubcoreMesh(core_axis_name="c", subcore_axis_name="s")
    k = functools.partial(
        pl.kernel,
        mesh=mesh,
        out_type=jax.ShapeDtypeStruct((N, H), jnp.float32),
        scratch_types=[
            pltpu.VMEM((b_per_w,), jnp.int32),
            pltpu.VMEM((_NBUF, _CH, H), jnp.float32),
        ] + [pltpu.SemaphoreType.DMA] * (2 * _NBUF),
    )(_sc_gather_body)
    return k(table, ids)



_BLK = 1024
_NB = N // _BLK
_CV = TYPE_V + MAX_VISITS + SEG_V


def _dotT(lhsT, rhs):
    return lax.dot_general(lhsT, rhs, (((0,), (0,)), ((), ())),
                           preferred_element_type=jnp.float32)


def _tc_body(wrows_ref, ts_ref, prev_ref, age_ref, tt_ref, vo_ref, vs_ref,
             w_ref, b_ref, tab_ref, tw_ref, tphi_ref, aw_ref, aphi_ref,
             g_ref, beta_ref, out_ref):
    ts = ts_ref[0]
    dt = ts - prev_ref[0]
    age = age_ref[0]
    arg = jnp.concatenate(
        [tw_ref[...] * dt + tphi_ref[...],
         aw_ref[...] * age + aphi_ref[...]], axis=0)
    a2 = arg * arg
    featT = arg * (1.0 + a2 * (-1.0 / 6.0 + a2 * (1.0 / 120.0
                   + a2 * (-1.0 / 5040.0 + a2 * (1.0 / 362880.0)))))
    wr = wrows_ref[...].astype(jnp.bfloat16)
    wb = w_ref[...].astype(jnp.bfloat16)
    x = jnp.dot(wr, wb[:H, :], preferred_element_type=jnp.float32)
    x += _dotT(featT.astype(jnp.bfloat16), wb[H:, :])
    x = jnp.tanh(x + b_ref[...])
    row = lax.broadcasted_iota(jnp.int32, (_CV, _BLK), 0)
    hotT = ((row == tt_ref[0]) | (row == vo_ref[0] + TYPE_V)
            | (row == vs_ref[0] + (TYPE_V + MAX_VISITS))).astype(jnp.bfloat16)
    x += _dotT(hotT, tab_ref[...].astype(jnp.bfloat16))
    mu = jnp.mean(x, axis=-1, keepdims=True)
    d = x - mu
    var = jnp.mean(d * d, axis=-1, keepdims=True)
    out_ref[...] = d * lax.rsqrt(var + EPS) * g_ref[...] + beta_ref[...]


def _tc_fused(wrows, ts, prev, ages, tt, vo, vs, W, b, tables,
              tw, tphi, aw, aphi, ln_g, ln_b):
    tok = lambda: pl.BlockSpec((1, 1, _BLK), lambda i: (i, 0, 0))
    rep = lambda shape: pl.BlockSpec(shape, lambda i: (0,) * len(shape))
    return pl.pallas_call(
        _tc_body,
        grid=(_NB,),
        in_specs=[
            pl.BlockSpec((_BLK, H), lambda i: (i, 0)),
            tok(), tok(), tok(),
            tok(), tok(), tok(),
            rep((H + 2 * T, H)),
            rep((1, H)),
            rep((_CV, H)),
            rep((T, 1)), rep((T, 1)), rep((T, 1)), rep((T, 1)),
            rep((1, H)), rep((1, H)),
        ],
        out_specs=pl.BlockSpec((_BLK, H), lambda i: (i, 0)),
        out_shape=jax.ShapeDtypeStruct((N, H), jnp.float32),
    )(wrows, ts, prev, ages, tt, vo, vs, W, b, tables,
      tw, tphi, aw, aphi, ln_g, ln_b)


def kernel(input_ids, time_stamps, ages, token_type_ids_batch, visit_orders,
           visit_segments, word_emb, tok_type_emb, visit_order_emb,
           visit_seg_emb, time_w, time_phi, age_w, age_phi, W, b, ln_g, ln_b):
    wrows = _sc_gather(word_emb, input_ids.astype(jnp.int32))

    shape3 = (_NB, 1, _BLK)
    ts3 = time_stamps.reshape(shape3)
    prev3 = jnp.concatenate([time_stamps[:, :1], time_stamps[:, :-1]],
                            axis=1).reshape(shape3)
    ages3 = ages.reshape(shape3)
    tt3 = token_type_ids_batch.astype(jnp.int32).reshape(shape3)
    vo3 = visit_orders.astype(jnp.int32).reshape(shape3)
    vs3 = visit_segments.astype(jnp.int32).reshape(shape3)
    tables = jnp.concatenate([tok_type_emb, visit_order_emb, visit_seg_emb],
                             axis=0)
    out = _tc_fused(wrows, ts3, prev3, ages3, tt3, vo3, vs3, W,
                    b.reshape(1, H), tables, time_w.reshape(T, 1),
                    time_phi.reshape(T, 1), age_w.reshape(T, 1),
                    age_phi.reshape(T, 1), ln_g.reshape(1, H),
                    ln_b.reshape(1, H))
    return out.reshape(B, L, H)

# --- scband reference (transcript-rebuilt; emitter-appended) ---
"""Pipeline reference for scband-mamba-embeddings-for-cehr-44375602103012 (READ-ONLY COPY).

The authoritative reference and input builder live on the scoring server;
editing this copy changes nothing except your own understanding.
"""

import jax, jax.numpy as jnp
import numpy as np

B, L = 4, 2048
V, H, T = 100000, 768, 32
TYPE_V, MAX_VISITS, SEG_V = 9, 512, 3
EPS = 1e-12


def setup_inputs(seed: int = 0) -> dict:
    key = jax.random.key(seed)
    ks = jax.random.split(key, 18)
    input_ids = jax.random.randint(ks[0], (B, L), 0, V)
    time_stamps = jax.random.uniform(ks[1], (B, L), dtype=jnp.float32)
    ages = jax.random.uniform(ks[2], (B, L), dtype=jnp.float32)
    token_type_ids_batch = jax.random.randint(ks[3], (B, L), 0, TYPE_V)
    visit_orders = jax.random.randint(ks[4], (B, L), 0, MAX_VISITS)
    visit_segments = jax.random.randint(ks[5], (B, L), 0, SEG_V)
    word_emb = jax.random.normal(ks[6], (V, H), dtype=jnp.float32) * 0.02
    word_emb = word_emb.at[0].set(0.0)  # padding_idx=0
    tok_type_emb = jax.random.normal(ks[7], (TYPE_V, H), dtype=jnp.float32) * 0.02
    visit_order_emb = jax.random.normal(ks[8], (MAX_VISITS, H), dtype=jnp.float32) * 0.02
    visit_seg_emb = jax.random.normal(ks[9], (SEG_V, H), dtype=jnp.float32) * 0.02
    lim_t = np.sqrt(6.0 / (1 + T))
    time_w = jax.random.uniform(ks[10], (1, T), minval=-lim_t, maxval=lim_t, dtype=jnp.float32)
    time_phi = jax.random.uniform(ks[11], (1, T), minval=-lim_t, maxval=lim_t, dtype=jnp.float32)
    age_w = jax.random.uniform(ks[12], (1, T), minval=-lim_t, maxval=lim_t, dtype=jnp.float32)
    age_phi = jax.random.uniform(ks[13], (1, T), minval=-lim_t, maxval=lim_t, dtype=jnp.float32)
    lim_w = np.sqrt(1.0 / (H + 2 * T))
    W = jax.random.uniform(ks[14], (H + 2 * T, H), minval=-lim_w, maxval=lim_w, dtype=jnp.float32)
    b = jax.random.uniform(ks[15], (H,), minval=-lim_w, maxval=lim_w, dtype=jnp.float32)
    ln_g = jnp.ones((H,), dtype=jnp.float32)
    ln_b = jnp.zeros((H,), dtype=jnp.float32)
    return {
        'input_ids': input_ids, 'time_stamps': time_stamps, 'ages': ages,
        'token_type_ids_batch': token_type_ids_batch, 'visit_orders': visit_orders,
        'visit_segments': visit_segments, 'word_emb': word_emb,
        'tok_type_emb': tok_type_emb, 'visit_order_emb': visit_order_emb,
        'visit_seg_emb': visit_seg_emb, 'time_w': time_w, 'time_phi': time_phi,
        'age_w': age_w, 'age_phi': age_phi, 'W': W, 'b': b, 'ln_g': ln_g, 'ln_b': ln_b,
    }


def reference(input_ids, time_stamps, ages, token_type_ids_batch, visit_orders,
              visit_segments, word_emb, tok_type_emb, visit_order_emb, visit_seg_emb,
              time_w, time_phi, age_w, age_phi, W, b, ln_g, ln_b):
    # word embedding gather
    inputs_embeds = jnp.take(word_emb, input_ids, axis=0)  # [B, L, H]
    # time delta embedding: sin(dt * w + phi)
    dt = jnp.concatenate([time_stamps[:, 0:1] * 0,
                          time_stamps[:, 1:] - time_stamps[:, :-1]], axis=-1)
    time_embeds = jnp.sin(dt[..., None] * time_w + time_phi)  # [B, L, T]
    # age embedding (no delta)
    age_embeds = jnp.sin(ages[..., None] * age_w + age_phi)  # [B, L, T]
    visit_seg_embeds = jnp.take(visit_seg_emb, visit_segments, axis=0)
    visit_order_embeds = jnp.take(visit_order_emb, visit_orders, axis=0)
    token_type_embeds = jnp.take(tok_type_emb, token_type_ids_batch, axis=0)
    x = jnp.concatenate([inputs_embeds, time_embeds, age_embeds], axis=-1)  # [B, L, H+2T]
    x = jnp.tanh(jnp.dot(x, W) + b)  # scale_back_concat_layer + tanh
    x = x + token_type_embeds + visit_order_embeds + visit_seg_embeds
    # dropout is identity in eval mode; LayerNorm with eps=1e-12
    mu = jnp.mean(x, axis=-1, keepdims=True)
    var = jnp.var(x, axis=-1, keepdims=True)
    return (x - mu) / jnp.sqrt(var + EPS) * ln_g + ln_b

if __name__ == "__main__":
    import jax
    _d = setup_inputs()
    print(jax.jit(kernel)(*tuple(_d.values())))

</pallas_src>

<mosaic_0001>
#map = affine_map<(d0, d1) -> (0, 0)>
module attributes {stable_mosaic.version = 14 : i64} {
  func.func @_sc_gather_body(%arg0: i32, %arg1: i32, %arg2: memref<100000x768xf32, #tpu.memory_space<hbm>>, %arg3: memref<4x2048xi32, #tpu.memory_space<hbm>>, %arg4: memref<8192x768xf32, #tpu.memory_space<hbm>>, %arg5: memref<256xi32, #tpu.memory_space<vmem>>, %arg6: memref<4x32x768xf32, #tpu.memory_space<vmem>>, %arg7: memref<!tpu.dma_semaphore, #tpu.memory_space<semaphore_mem>>, %arg8: memref<!tpu.dma_semaphore, #tpu.memory_space<semaphore_mem>>, %arg9: memref<!tpu.dma_semaphore, #tpu.memory_space<semaphore_mem>>, %arg10: memref<!tpu.dma_semaphore, #tpu.memory_space<semaphore_mem>>, %arg11: memref<!tpu.dma_semaphore, #tpu.memory_space<semaphore_mem>>, %arg12: memref<!tpu.dma_semaphore, #tpu.memory_space<semaphore_mem>>, %arg13: memref<!tpu.dma_semaphore, #tpu.memory_space<semaphore_mem>>, %arg14: memref<!tpu.dma_semaphore, #tpu.memory_space<semaphore_mem>>) attributes {dimension_semantics = [#tpu.dimension_semantics<core_parallel>, #tpu.dimension_semantics<subcore_parallel>], iteration_bounds = array<i64: 2, 16>, scalar_prefetch = 0 : i64, scratch_operands = 10 : i64, tpu.core_type = #tpu.core_type<sc_vector_subcore>, window_params = [{transform_indices = #map}, {transform_indices = #map}, {transform_indices = #map}]} {
    %mul3A = arith.constant 2 : i32
    %mul3A_0 = arith.muli %arg1, %mul3A : i32
    %add3A = arith.addi %mul3A_0, %arg0 : i32
    %mul3A_1 = arith.constant 256 : i32
    %mul3A_2 = arith.muli %add3A, %mul3A_1 : i32
    %jit3A = arith.constant 8 : i32
    %div3A = arith.divsi %add3A, %jit3A : i32
    %sign3A = arith.constant 0 : i32
    %sign3A_3 = arith.cmpi sgt, %add3A, %sign3A : i32
    %sign3A_4 = arith.extui %sign3A_3 : i1 to i32
    %sign3A_5 = arith.constant 0 : i32
    %sign3A_6 = arith.cmpi slt, %add3A, %sign3A_5 : i32
    %sign3A_7 = arith.extui %sign3A_6 : i1 to i32
    %sign3A_8 = arith.subi %sign3A_4, %sign3A_7 : i32
    %sign3A_9 = arith.constant 0 : i32
    %sign3A_10 = arith.cmpi sgt, %jit3A, %sign3A_9 : i32
    %sign3A_11 = arith.extui %sign3A_10 : i1 to i32
    %sign3A_12 = arith.constant 0 : i32
    %sign3A_13 = arith.cmpi slt, %jit3A, %sign3A_12 : i32
    %sign3A_14 = arith.extui %sign3A_13 : i1 to i32
    %sign3A_15 = arith.subi %sign3A_11, %sign3A_14 : i32
    %ne3A = arith.cmpi ne, %sign3A_8, %sign3A_15 : i32
    %rem3A = arith.remsi %add3A, %jit3A : i32
    %ne3A_16 = arith.constant 0 : i32
    %ne3A_17 = arith.cmpi ne, %rem3A, %ne3A_16 : i32
    %and3A = arith.andi %ne3A, %ne3A_17 : i1
    %sub3A = arith.constant 1 : i32
    %sub3A_18 = arith.subi %div3A, %sub3A : i32
    %select_n3A = arith.select %and3A, %sub3A_18, %div3A : i32
    %jit3A_19 = arith.constant 8 : i32
    %eq3A = arith.constant 0 : i32
    %eq3A_20 = arith.cmpi eq, %jit3A_19, %eq3A : i32
    %jit3A_21 = arith.constant 1 : i32
    %select_n3A_22 = arith.select %eq3A_20, %jit3A_21, %jit3A_19 : i32
    %rem3A_23 = arith.remsi %add3A, %select_n3A_22 : i32
    %ne3A_24 = arith.constant 0 : i32
    %ne3A_25 = arith.cmpi ne, %rem3A_23, %ne3A_24 : i32
    %lt3A = arith.constant 0 : i32
    %lt3A_26 = arith.cmpi slt, %rem3A_23, %lt3A : i32
    %lt3A_27 = arith.constant 0 : i32
    %lt3A_28 = arith.cmpi slt, %select_n3A_22, %lt3A_27 : i32
    %ne3A_29 = arith.xori %lt3A_26, %lt3A_28 : i1
    %and3A_30 = arith.andi %ne3A_29, %ne3A_25 : i1
    %add3A_31 = arith.addi %rem3A_23, %select_n3A_22 : i32
    %select_n3A_32 = arith.select %and3A_30, %add3A_31, %rem3A_23 : i32
    %mul3A_33 = arith.constant 256 : i32
    %mul3A_34 = arith.muli %select_n3A_32, %mul3A_33 : i32
    "tpu.region"() ({
      %run_scoped3A = tpu.sem_alloc : memref<!tpu.dma_semaphore, #tpu.memory_space<semaphore_mem>>
      %dma_start3A_417 = tpu.memref_slice %arg3[%select_n3A, %mul3A_34] : memref<4x2048xi32, #tpu.memory_space<hbm>> -> memref<1x256xi32, #tpu.memory_space<hbm>>
      %dma_start3A_418 = tpu.memref_squeeze %dma_start3A_417 : memref<1x256xi32, #tpu.memory_space<hbm>> -> memref<256xi32, #tpu.memory_space<hbm>>
      %dma_start3A_419 = tpu.memref_slice %arg3[%select_n3A, %mul3A_34] : memref<4x2048xi32, #tpu.memory_space<hbm>> -> memref<1x256xi32, #tpu.memory_space<hbm>>
      %dma_start3A_420 = tpu.memref_squeeze %dma_start3A_419 : memref<1x256xi32, #tpu.memory_space<hbm>> -> memref<256xi32, #tpu.memory_space<hbm>>
      tpu.enqueue_dma source(%dma_start3A_420 : memref<256xi32, #tpu.memory_space<hbm>>) target(%arg5 : memref<256xi32, #tpu.memory_space<vmem>>) target_semaphore(%run_scoped3A : memref<!tpu.dma_semaphore, #tpu.memory_space<semaphore_mem>>)
      %dma_wait3A_421 = tpu.memref_slice %arg3[%select_n3A, %mul3A_34] : memref<4x2048xi32, #tpu.memory_space<hbm>> -> memref<1x256xi32, #tpu.memory_space<hbm>>
      %dma_wait3A_422 = tpu.memref_squeeze %dma_wait3A_421 : memref<1x256xi32, #tpu.memory_space<hbm>> -> memref<256xi32, #tpu.memory_space<hbm>>
      %dma_wait3A_423 = tpu.memref_slice %arg3[%select_n3A, %mul3A_34] : memref<4x2048xi32, #tpu.memory_space<hbm>> -> memref<1x256xi32, #tpu.memory_space<hbm>>
      %dma_wait3A_424 = tpu.memref_squeeze %dma_wait3A_423 : memref<1x256xi32, #tpu.memory_space<hbm>> -> memref<256xi32, #tpu.memory_space<hbm>>
      tpu.wait_dma2 semaphore(%run_scoped3A : memref<!tpu.dma_semaphore, #tpu.memory_space<semaphore_mem>>) src(%dma_wait3A_424 : memref<256xi32, #tpu.memory_space<hbm>>) dst(%arg5 : memref<256xi32, #tpu.memory_space<vmem>>)
      tpu.yield
    }) : () -> ()
    %dma_start3A = arith.constant 0 : i32
    %dma_start3A_35 = arith.constant 0 : i32
    %dma_start3A_36 = arith.constant 0 : i32
    %dma_start3A_37 = tpu.memref_slice %arg6[%dma_start3A, %dma_start3A_35, %dma_start3A_36] : memref<4x32x768xf32, #tpu.memory_space<vmem>> -> memref<1x32x768xf32, #tpu.memory_space<vmem>>
    %dma_start3A_38 = tpu.memref_squeeze %dma_start3A_37 : memref<1x32x768xf32, #tpu.memory_space<vmem>> -> memref<32x768xf32, #tpu.memory_space<vmem>>
    %dma_start3A_39 = arith.constant 0 : i32
    %dma_start3A_40 = tpu.memref_slice %arg5[%dma_start3A_39] : memref<256xi32, #tpu.memory_space<vmem>> -> memref<32xi32, #tpu.memory_space<vmem>>
    %dma_start3A_41 = arith.constant 0 : i32
    %dma_start3A_42 = arith.constant 0 : i32
    %dma_start3A_43 = tpu.memref_slice %arg2[%dma_start3A_41, %dma_start3A_42] : memref<100000x768xf32, #tpu.memory_space<hbm>> -> memref<100000x768xf32, #tpu.memory_space<hbm>>
    tpu.enqueue_indirect_dma source(%dma_start3A_43 : memref<100000x768xf32, #tpu.memory_space<hbm>>) target(%dma_start3A_38 : memref<32x768xf32, #tpu.memory_space<vmem>>) offsets(%dma_start3A_40 : memref<32xi32, #tpu.memory_space<vmem>>) semaphore(%arg7 : memref<!tpu.dma_semaphore, #tpu.memory_space<semaphore_mem>>)
    %dma_start3A_44 = arith.constant 1 : i32
    %dma_start3A_45 = arith.constant 0 : i32
    %dma_start3A_46 = arith.constant 0 : i32
    %dma_start3A_47 = tpu.memref_slice %arg6[%dma_start3A_44, %dma_start3A_45, %dma_start3A_46] : memref<4x32x768xf32, #tpu.memory_space<vmem>> -> memref<1x32x768xf32, #tpu.memory_space<vmem>>
    %dma_start3A_48 = tpu.memref_squeeze %dma_start3A_47 : memref<1x32x768xf32, #tpu.memory_space<vmem>> -> memref<32x768xf32, #tpu.memory_space<vmem>>
    %dma_start3A_49 = arith.constant 32 : i32
    %dma_start3A_50 = tpu.memref_slice %arg5[%dma_start3A_49] : memref<256xi32, #tpu.memory_space<vmem>> -> memref<32xi32, #tpu.memory_space<vmem>>
    %dma_start3A_51 = arith.constant 0 : i32
    %dma_start3A_52 = arith.constant 0 : i32
    %dma_start3A_53 = tpu.memref_slice %arg2[%dma_start3A_51, %dma_start3A_52] : memref<100000x768xf32, #tpu.memory_space<hbm>> -> memref<100000x768xf32, #tpu.memory_space<hbm>>
    tpu.enqueue_indirect_dma source(%dma_start3A_53 : memref<100000x768xf32, #tpu.memory_space<hbm>>) target(%dma_start3A_48 : memref<32x768xf32, #tpu.memory_space<vmem>>) offsets(%dma_start3A_50 : memref<32xi32, #tpu.memory_space<vmem>>) semaphore(%arg8 : memref<!tpu.dma_semaphore, #tpu.memory_space<semaphore_mem>>)
    %dma_start3A_54 = arith.constant 2 : i32
    %dma_start3A_55 = arith.constant 0 : i32
    %dma_start3A_56 = arith.constant 0 : i32
    %dma_start3A_57 = tpu.memref_slice %arg6[%dma_start3A_54, %dma_start3A_55, %dma_start3A_56] : memref<4x32x768xf32, #tpu.memory_space<vmem>> -> memref<1x32x768xf32, #tpu.memory_space<vmem>>
    %dma_start3A_58 = tpu.memref_squeeze %dma_start3A_57 : memref<1x32x768xf32, #tpu.memory_space<vmem>> -> memref<32x768xf32, #tpu.memory_space<vmem>>
    %dma_start3A_59 = arith.constant 64 : i32
    %dma_start3A_60 = tpu.memref_slice %arg5[%dma_start3A_59] : memref<256xi32, #tpu.memory_space<vmem>> -> memref<32xi32, #tpu.memory_space<vmem>>
    %dma_start3A_61 = arith.constant 0 : i32
    %dma_start3A_62 = arith.constant 0 : i32
    %dma_start3A_63 = tpu.memref_slice %arg2[%dma_start3A_61, %dma_start3A_62] : memref<100000x768xf32, #tpu.memory_space<hbm>> -> memref<100000x768xf32, #tpu.memory_space<hbm>>
    tpu.enqueue_indirect_dma source(%dma_start3A_63 : memref<100000x768xf32, #tpu.memory_space<hbm>>) target(%dma_start3A_58 : memref<32x768xf32, #tpu.memory_space<vmem>>) offsets(%dma_start3A_60 : memref<32xi32, #tpu.memory_space<vmem>>) semaphore(%arg9 : memref<!tpu.dma_semaphore, #tpu.memory_space<semaphore_mem>>)
    %dma_start3A_64 = arith.constant 3 : i32
    %dma_start3A_65 = arith.constant 0 : i32
    %dma_start3A_66 = arith.constant 0 : i32
    %dma_start3A_67 = tpu.memref_slice %arg6[%dma_start3A_64, %dma_start3A_65, %dma_start3A_66] : memref<4x32x768xf32, #tpu.memory_space<vmem>> -> memref<1x32x768xf32, #tpu.memory_space<vmem>>
    %dma_start3A_68 = tpu.memref_squeeze %dma_start3A_67 : memref<1x32x768xf32, #tpu.memory_space<vmem>> -> memref<32x768xf32, #tpu.memory_space<vmem>>
    %dma_start3A_69 = arith.constant 96 : i32
    %dma_start3A_70 = tpu.memref_slice %arg5[%dma_start3A_69] : memref<256xi32, #tpu.memory_space<vmem>> -> memref<32xi32, #tpu.memory_space<vmem>>
    %dma_start3A_71 = arith.constant 0 : i32
    %dma_start3A_72 = arith.constant 0 : i32
    %dma_start3A_73 = tpu.memref_slice %arg2[%dma_start3A_71, %dma_start3A_72] : memref<100000x768xf32, #tpu.memory_space<hbm>> -> memref<100000x768xf32, #tpu.memory_space<hbm>>
    tpu.enqueue_indirect_dma source(%dma_start3A_73 : memref<100000x768xf32, #tpu.memory_space<hbm>>) target(%dma_start3A_68 : memref<32x768xf32, #tpu.memory_space<vmem>>) offsets(%dma_start3A_70 : memref<32xi32, #tpu.memory_space<vmem>>) semaphore(%arg10 : memref<!tpu.dma_semaphore, #tpu.memory_space<semaphore_mem>>)
    %dma_wait3A = arith.constant 0 : i32
    %dma_wait3A_74 = arith.constant 0 : i32
    %dma_wait3A_75 = arith.constant 0 : i32
    %dma_wait3A_76 = tpu.memref_slice %arg6[%dma_wait3A, %dma_wait3A_74, %dma_wait3A_75] : memref<4x32x768xf32, #tpu.memory_space<vmem>> -> memref<1x32x768xf32, #tpu.memory_space<vmem>>
    %dma_wait3A_77 = tpu.memref_squeeze %dma_wait3A_76 : memref<1x32x768xf32, #tpu.memory_space<vmem>> -> memref<32x768xf32, #tpu.memory_space<vmem>>
    %dma_wait3A_78 = arith.constant 0 : i32
    %dma_wait3A_79 = tpu.memref_slice %arg5[%dma_wait3A_78] : memref<256xi32, #tpu.memory_space<vmem>> -> memref<32xi32, #tpu.memory_space<vmem>>
    %dma_wait3A_80 = arith.constant 0 : i32
    %dma_wait3A_81 = arith.constant 0 : i32
    %dma_wait3A_82 = tpu.memref_slice %arg2[%dma_wait3A_80, %dma_wait3A_81] : memref<100000x768xf32, #tpu.memory_space<hbm>> -> memref<100000x768xf32, #tpu.memory_space<hbm>>
    tpu.wait_indirect_dma semaphore(%arg7 : memref<!tpu.dma_semaphore, #tpu.memory_space<semaphore_mem>>) src(%dma_wait3A_82 : memref<100000x768xf32, #tpu.memory_space<hbm>>) dst(%dma_wait3A_77 : memref<32x768xf32, #tpu.memory_space<vmem>>)
    %add3A_83 = arith.constant 0 : i32
    %add3A_84 = arith.addi %mul3A_2, %add3A_83 : i32
    %dma_start3A_85 = arith.constant 0 : i32
    %dma_start3A_86 = arith.constant 0 : i32
    %dma_start3A_87 = arith.constant 0 : i32
    %dma_start3A_88 = tpu.memref_slice %arg6[%dma_start3A_85, %dma_start3A_86, %dma_start3A_87] : memref<4x32x768xf32, #tpu.memory_space<vmem>> -> memref<1x32x768xf32, #tpu.memory_space<vmem>>
    %dma_start3A_89 = tpu.memref_squeeze %dma_start3A_88 : memref<1x32x768xf32, #tpu.memory_space<vmem>> -> memref<32x768xf32, #tpu.memory_space<vmem>>
    %dma_start3A_90 = arith.constant 0 : i32
    %dma_start3A_91 = tpu.memref_slice %arg4[%add3A_84, %dma_start3A_90] : memref<8192x768xf32, #tpu.memory_space<hbm>> -> memref<32x768xf32, #tpu.memory_space<hbm>>
    %dma_start3A_92 = arith.constant 0 : i32
    %dma_start3A_93 = tpu.memref_slice %arg4[%add3A_84, %dma_start3A_92] : memref<8192x768xf32, #tpu.memory_space<hbm>> -> memref<32x768xf32, #tpu.memory_space<hbm>>
    %dma_start3A_94 = arith.constant 0 : i32
    %dma_start3A_95 = arith.constant 0 : i32
    %dma_start3A_96 = tpu.memref_slice %arg6[%dma_start3A_85, %dma_start3A_94, %dma_start3A_95] : memref<4x32x768xf32, #tpu.memory_space<vmem>> -> memref<1x32x768xf32, #tpu.memory_space<vmem>>
    %dma_start3A_97 = tpu.memref_squeeze %dma_start3A_96 : memref<1x32x768xf32, #tpu.memory_space<vmem>> -> memref<32x768xf32, #tpu.memory_space<vmem>>
    tpu.enqueue_dma source(%dma_start3A_97 : memref<32x768xf32, #tpu.memory_space<vmem>>) target(%dma_start3A_93 : memref<32x768xf32, #tpu.memory_space<hbm>>) target_semaphore(%arg11 : memref<!tpu.dma_semaphore, #tpu.memory_space<semaphore_mem>>)
    %dma_wait3A_98 = arith.constant 0 : i32
    %dma_wait3A_99 = arith.constant 0 : i32
    %dma_wait3A_100 = arith.constant 0 : i32
    %dma_wait3A_101 = tpu.memref_slice %arg6[%dma_wait3A_98, %dma_wait3A_99, %dma_wait3A_100] : memref<4x32x768xf32, #tpu.memory_space<vmem>> -> memref<1x32x768xf32, #tpu.memory_space<vmem>>
    %dma_wait3A_102 = tpu.memref_squeeze %dma_wait3A_101 : memref<1x32x768xf32, #tpu.memory_space<vmem>> -> memref<32x768xf32, #tpu.memory_space<vmem>>
    %dma_wait3A_103 = arith.constant 0 : i32
    %dma_wait3A_104 = tpu.memref_slice %arg4[%add3A_84, %dma_wait3A_103] : memref<8192x768xf32, #tpu.memory_space<hbm>> -> memref<32x768xf32, #tpu.memory_space<hbm>>
    %dma_wait3A_105 = arith.constant 0 : i32
    %dma_wait3A_106 = tpu.memref_slice %arg4[%add3A_84, %dma_wait3A_105] : memref<8192x768xf32, #tpu.memory_space<hbm>> -> memref<32x768xf32, #tpu.memory_space<hbm>>
    %dma_wait3A_107 = arith.constant 0 : i32
    %dma_wait3A_108 = arith.constant 0 : i32
    %dma_wait3A_109 = tpu.memref_slice %arg6[%dma_wait3A_98, %dma_wait3A_107, %dma_wait3A_108] : memref<4x32x768xf32, #tpu.memory_space<vmem>> -> memref<1x32x768xf32, #tpu.memory_space<vmem>>
    %dma_wait3A_110 = tpu.memref_squeeze %dma_wait3A_109 : memref<1x32x768xf32, #tpu.memory_space<vmem>> -> memref<32x768xf32, #tpu.memory_space<vmem>>
    tpu.wait_dma2 semaphore(%arg11 : memref<!tpu.dma_semaphore, #tpu.memory_space<semaphore_mem>>) src(%dma_wait3A_110 : memref<32x768xf32, #tpu.memory_space<vmem>>) dst(%dma_wait3A_106 : memref<32x768xf32, #tpu.memory_space<hbm>>)
    %dma_start3A_111 = arith.constant 0 : i32
    %dma_start3A_112 = arith.constant 0 : i32
    %dma_start3A_113 = arith.constant 0 : i32
    %dma_start3A_114 = tpu.memref_slice %arg6[%dma_start3A_111, %dma_start3A_112, %dma_start3A_113] : memref<4x32x768xf32, #tpu.memory_space<vmem>> -> memref<1x32x768xf32, #tpu.memory_space<vmem>>
    %dma_start3A_115 = tpu.memref_squeeze %dma_start3A_114 : memref<1x32x768xf32, #tpu.memory_space<vmem>> -> memref<32x768xf32, #tpu.memory_space<vmem>>
    %dma_start3A_116 = arith.constant 128 : i32
    %dma_start3A_117 = tpu.memref_slice %arg5[%dma_start3A_116] : memref<256xi32, #tpu.memory_space<vmem>> -> memref<32xi32, #tpu.memory_space<vmem>>
    %dma_start3A_118 = arith.constant 0 : i32
    %dma_start3A_119 = arith.constant 0 : i32
    %dma_start3A_120 = tpu.memref_slice %arg2[%dma_start3A_118, %dma_start3A_119] : memref<100000x768xf32, #tpu.memory_space<hbm>> -> memref<100000x768xf32, #tpu.memory_space<hbm>>
    tpu.enqueue_indirect_dma source(%dma_start3A_120 : memref<100000x768xf32, #tpu.memory_space<hbm>>) target(%dma_start3A_115 : memref<32x768xf32, #tpu.memory_space<vmem>>) offsets(%dma_start3A_117 : memref<32xi32, #tpu.memory_space<vmem>>) semaphore(%arg7 : memref<!tpu.dma_semaphore, #tpu.memory_space<semaphore_mem>>)
    %dma_wait3A_121 = arith.constant 1 : i32
    %dma_wait3A_122 = arith.constant 0 : i32
    %dma_wait3A_123 = arith.constant 0 : i32
    %dma_wait3A_124 = tpu.memref_slice %arg6[%dma_wait3A_121, %dma_wait3A_122, %dma_wait3A_123] : memref<4x32x768xf32, #tpu.memory_space<vmem>> -> memref<1x32x768xf32, #tpu.memory_space<vmem>>
    %dma_wait3A_125 = tpu.memref_squeeze %dma_wait3A_124 : memref<1x32x768xf32, #tpu.memory_space<vmem>> -> memref<32x768xf32, #tpu.memory_space<vmem>>
    %dma_wait3A_126 = arith.constant 32 : i32
    %dma_wait3A_127 = tpu.memref_slice %arg5[%dma_wait3A_126] : memref<256xi32, #tpu.memory_space<vmem>> -> memref<32xi32, #tpu.memory_space<vmem>>
    %dma_wait3A_128 = arith.constant 0 : i32
    %dma_wait3A_129 = arith.constant 0 : i32
    %dma_wait3A_130 = tpu.memref_slice %arg2[%dma_wait3A_128, %dma_wait3A_129] : memref<100000x768xf32, #tpu.memory_space<hbm>> -> memref<100000x768xf32, #tpu.memory_space<hbm>>
    tpu.wait_indirect_dma semaphore(%arg8 : memref<!tpu.dma_semaphore, #tpu.memory_space<semaphore_mem>>) src(%dma_wait3A_130 : memref<100000x768xf32, #tpu.memory_space<hbm>>) dst(%dma_wait3A_125 : memref<32x768xf32, #tpu.memory_space<vmem>>)
    %add3A_131 = arith.constant 32 : i32
    %add3A_132 = arith.addi %mul3A_2, %add3A_131 : i32
    %dma_start3A_133 = arith.constant 1 : i32
    %dma_start3A_134 = arith.constant 0 : i32
    %dma_start3A_135 = arith.constant 0 : i32
    %dma_start3A_136 = tpu.memref_slice %arg6[%dma_start3A_133, %dma_start3A_134, %dma_start3A_135] : memref<4x32x768xf32, #tpu.memory_space<vmem>> -> memref<1x32x768xf32, #tpu.memory_space<vmem>>
    %dma_start3A_137 = tpu.memref_squeeze %dma_start3A_136 : memref<1x32x768xf32, #tpu.memory_space<vmem>> -> memref<32x768xf32, #tpu.memory_space<vmem>>
    %dma_start3A_138 = arith.constant 0 : i32
    %dma_start3A_139 = tpu.memref_slice %arg4[%add3A_132, %dma_start3A_138] : memref<8192x768xf32, #tpu.memory_space<hbm>> -> memref<32x768xf32, #tpu.memory_space<hbm>>
    %dma_start3A_140 = arith.constant 0 : i32
    %dma_start3A_141 = tpu.memref_slice %arg4[%add3A_132, %dma_start3A_140] : memref<8192x768xf32, #tpu.memory_space<hbm>> -> memref<32x768xf32, #tpu.memory_space<hbm>>
    %dma_start3A_142 = arith.constant 0 : i32
    %dma_start3A_143 = arith.constant 0 : i32
    %dma_start3A_144 = tpu.memref_slice %arg6[%dma_start3A_133, %dma_start3A_142, %dma_start3A_143] : memref<4x32x768xf32, #tpu.memory_space<vmem>> -> memref<1x32x768xf32, #tpu.memory_space<vmem>>
    %dma_start3A_145 = tpu.memref_squeeze %dma_start3A_144 : memref<1x32x768xf32, #tpu.memory_space<vmem>> -> memref<32x768xf32, #tpu.memory_space<vmem>>
    tpu.enqueue_dma source(%dma_start3A_145 : memref<32x768xf32, #tpu.memory_space<vmem>>) target(%dma_start3A_141 : memref<32x768xf32, #tpu.memory_space<hbm>>) target_semaphore(%arg12 : memref<!tpu.dma_semaphore, #tpu.memory_space<semaphore_mem>>)
    %dma_wait3A_146 = arith.constant 1 : i32
    %dma_wait3A_147 = arith.constant 0 : i32
    %dma_wait3A_148 = arith.constant 0 : i32
    %dma_wait3A_149 = tpu.memref_slice %arg6[%dma_wait3A_146, %dma_wait3A_147, %dma_wait3A_148] : memref<4x32x768xf32, #tpu.memory_space<vmem>> -> memref<1x32x768xf32, #tpu.memory_space<vmem>>
    %dma_wait3A_150 = tpu.memref_squeeze %dma_wait3A_149 : memref<1x32x768xf32, #tpu.memory_space<vmem>> -> memref<32x768xf32, #tpu.memory_space<vmem>>
    %dma_wait3A_151 = arith.constant 0 : i32
    %dma_wait3A_152 = tpu.memref_slice %arg4[%add3A_132, %dma_wait3A_151] : memref<8192x768xf32, #tpu.memory_space<hbm>> -> memref<32x768xf32, #tpu.memory_space<hbm>>
    %dma_wait3A_153 = arith.constant 0 : i32
    %dma_wait3A_154 = tpu.memref_slice %arg4[%add3A_132, %dma_wait3A_153] : memref<8192x768xf32, #tpu.memory_space<hbm>> -> memref<32x768xf32, #tpu.memory_space<hbm>>
    %dma_wait3A_155 = arith.constant 0 : i32
    %dma_wait3A_156 = arith.constant 0 : i32
    %dma_wait3A_157 = tpu.memref_slice %arg6[%dma_wait3A_146, %dma_wait3A_155, %dma_wait3A_156] : memref<4x32x768xf32, #tpu.memory_space<vmem>> -> memref<1x32x768xf32, #tpu.memory_space<vmem>>
    %dma_wait3A_158 = tpu.memref_squeeze %dma_wait3A_157 : memref<1x32x768xf32, #tpu.memory_space<vmem>> -> memref<32x768xf32, #tpu.memory_space<vmem>>
    tpu.wait_dma2 semaphore(%arg12 : memref<!tpu.dma_semaphore, #tpu.memory_space<semaphore_mem>>) src(%dma_wait3A_158 : memref<32x768xf32, #tpu.memory_space<vmem>>) dst(%dma_wait3A_154 : memref<32x768xf32, #tpu.memory_space<hbm>>)
    %dma_start3A_159 = arith.constant 1 : i32
    %dma_start3A_160 = arith.constant 0 : i32
    %dma_start3A_161 = arith.constant 0 : i32
    %dma_start3A_162 = tpu.memref_slice %arg6[%dma_start3A_159, %dma_start3A_160, %dma_start3A_161] : memref<4x32x768xf32, #tpu.memory_space<vmem>> -> memref<1x32x768xf32, #tpu.memory_space<vmem>>
    %dma_start3A_163 = tpu.memref_squeeze %dma_start3A_162 : memref<1x32x768xf32, #tpu.memory_space<vmem>> -> memref<32x768xf32, #tpu.memory_space<vmem>>
    %dma_start3A_164 = arith.constant 160 : i32
    %dma_start3A_165 = tpu.memref_slice %arg5[%dma_start3A_164] : memref<256xi32, #tpu.memory_space<vmem>> -> memref<32xi32, #tpu.memory_space<vmem>>
    %dma_start3A_166 = arith.constant 0 : i32
    %dma_start3A_167 = arith.constant 0 : i32
    %dma_start3A_168 = tpu.memref_slice %arg2[%dma_start3A_166, %dma_start3A_167] : memref<100000x768xf32, #tpu.memory_space<hbm>> -> memref<100000x768xf32, #tpu.memory_space<hbm>>
    tpu.enqueue_indirect_dma source(%dma_start3A_168 : memref<100000x768xf32, #tpu.memory_space<hbm>>) target(%dma_start3A_163 : memref<32x768xf32, #tpu.memory_space<vmem>>) offsets(%dma_start3A_165 : memref<32xi32, #tpu.memory_space<vmem>>) semaphore(%arg8 : memref<!tpu.dma_semaphore, #tpu.memory_space<semaphore_mem>>)
    %dma_wait3A_169 = arith.constant 2 : i32
    %dma_wait3A_170 = arith.constant 0 : i32
    %dma_wait3A_171 = arith.constant 0 : i32
    %dma_wait3A_172 = tpu.memref_slice %arg6[%dma_wait3A_169, %dma_wait3A_170, %dma_wait3A_171] : memref<4x32x768xf32, #tpu.memory_space<vmem>> -> memref<1x32x768xf32, #tpu.memory_space<vmem>>
    %dma_wait3A_173 = tpu.memref_squeeze %dma_wait3A_172 : memref<1x32x768xf32, #tpu.memory_space<vmem>> -> memref<32x768xf32, #tpu.memory_space<vmem>>
    %dma_wait3A_174 = arith.constant 64 : i32
    %dma_wait3A_175 = tpu.memref_slice %arg5[%dma_wait3A_174] : memref<256xi32, #tpu.memory_space<vmem>> -> memref<32xi32, #tpu.memory_space<vmem>>
    %dma_wait3A_176 = arith.constant 0 : i32
    %dma_wait3A_177 = arith.constant 0 : i32
    %dma_wait3A_178 = tpu.memref_slice %arg2[%dma_wait3A_176, %dma_wait3A_177] : memref<100000x768xf32, #tpu.memory_space<hbm>> -> memref<100000x768xf32, #tpu.memory_space<hbm>>
    tpu.wait_indirect_dma semaphore(%arg9 : memref<!tpu.dma_semaphore, #tpu.memory_space<semaphore_mem>>) src(%dma_wait3A_178 : memref<100000x768xf32, #tpu.memory_space<hbm>>) dst(%dma_wait3A_173 : memref<32x768xf32, #tpu.memory_space<vmem>>)
    %add3A_179 = arith.constant 64 : i32
    %add3A_180 = arith.addi %mul3A_2, %add3A_179 : i32
    %dma_start3A_181 = arith.constant 2 : i32
    %dma_start3A_182 = arith.constant 0 : i32
    %dma_start3A_183 = arith.constant 0 : i32
    %dma_start3A_184 = tpu.memref_slice %arg6[%dma_start3A_181, %dma_start3A_182, %dma_start3A_183] : memref<4x32x768xf32, #tpu.memory_space<vmem>> -> memref<1x32x768xf32, #tpu.memory_space<vmem>>
    %dma_start3A_185 = tpu.memref_squeeze %dma_start3A_184 : memref<1x32x768xf32, #tpu.memory_space<vmem>> -> memref<32x768xf32, #tpu.memory_space<vmem>>
    %dma_start3A_186 = arith.constant 0 : i32
    %dma_start3A_187 = tpu.memref_slice %arg4[%add3A_180, %dma_start3A_186] : memref<8192x768xf32, #tpu.memory_space<hbm>> -> memref<32x768xf32, #tpu.memory_space<hbm>>
    %dma_start3A_188 = arith.constant 0 : i32
    %dma_start3A_189 = tpu.memref_slice %arg4[%add3A_180, %dma_start3A_188] : memref<8192x768xf32, #tpu.memory_space<hbm>> -> memref<32x768xf32, #tpu.memory_space<hbm>>
    %dma_start3A_190 = arith.constant 0 : i32
    %dma_start3A_191 = arith.constant 0 : i32
    %dma_start3A_192 = tpu.memref_slice %arg6[%dma_start3A_181, %dma_start3A_190, %dma_start3A_191] : memref<4x32x768xf32, #tpu.memory_space<vmem>> -> memref<1x32x768xf32, #tpu.memory_space<vmem>>
    %dma_start3A_193 = tpu.memref_squeeze %dma_start3A_192 : memref<1x32x768xf32, #tpu.memory_space<vmem>> -> memref<32x768xf32, #tpu.memory_space<vmem>>
    tpu.enqueue_dma source(%dma_start3A_193 : memref<32x768xf32, #tpu.memory_space<vmem>>) target(%dma_start3A_189 : memref<32x768xf32, #tpu.memory_space<hbm>>) target_semaphore(%arg13 : memref<!tpu.dma_semaphore, #tpu.memory_space<semaphore_mem>>)
    %dma_wait3A_194 = arith.constant 2 : i32
    %dma_wait3A_195 = arith.constant 0 : i32
    %dma_wait3A_196 = arith.constant 0 : i32
    %dma_wait3A_197 = tpu.memref_slice %arg6[%dma_wait3A_194, %dma_wait3A_195, %dma_wait3A_196] : memref<4x32x768xf32, #tpu.memory_space<vmem>> -> memref<1x32x768xf32, #tpu.memory_space<vmem>>
    %dma_wait3A_198 = tpu.memref_squeeze %dma_wait3A_197 : memref<1x32x768xf32, #tpu.memory_space<vmem>> -> memref<32x768xf32, #tpu.memory_space<vmem>>
    %dma_wait3A_199 = arith.constant 0 : i32
    %dma_wait3A_200 = tpu.memref_slice %arg4[%add3A_180, %dma_wait3A_199] : memref<8192x768xf32, #tpu.memory_space<hbm>> -> memref<32x768xf32, #tpu.memory_space<hbm>>
    %dma_wait3A_201 = arith.constant 0 : i32
    %dma_wait3A_202 = tpu.memref_slice %arg4[%add3A_180, %dma_wait3A_201] : memref<8192x768xf32, #tpu.memory_space<hbm>> -> memref<32x768xf32, #tpu.memory_space<hbm>>
    %dma_wait3A_203 = arith.constant 0 : i32
    %dma_wait3A_204 = arith.constant 0 : i32
    %dma_wait3A_205 = tpu.memref_slice %arg6[%dma_wait3A_194, %dma_wait3A_203, %dma_wait3A_204] : memref<4x32x768xf32, #tpu.memory_space<vmem>> -> memref<1x32x768xf32, #tpu.memory_space<vmem>>
    %dma_wait3A_206 = tpu.memref_squeeze %dma_wait3A_205 : memref<1x32x768xf32, #tpu.memory_space<vmem>> -> memref<32x768xf32, #tpu.memory_space<vmem>>
    tpu.wait_dma2 semaphore(%arg13 : memref<!tpu.dma_semaphore, #tpu.memory_space<semaphore_mem>>) src(%dma_wait3A_206 : memref<32x768xf32, #tpu.memory_space<vmem>>) dst(%dma_wait3A_202 : memref<32x768xf32, #tpu.memory_space<hbm>>)
    %dma_start3A_207 = arith.constant 2 : i32
    %dma_start3A_208 = arith.constant 0 : i32
    %dma_start3A_209 = arith.constant 0 : i32
    %dma_start3A_210 = tpu.memref_slice %arg6[%dma_start3A_207, %dma_start3A_208, %dma_start3A_209] : memref<4x32x768xf32, #tpu.memory_space<vmem>> -> memref<1x32x768xf32, #tpu.memory_space<vmem>>
    %dma_start3A_211 = tpu.memref_squeeze %dma_start3A_210 : memref<1x32x768xf32, #tpu.memory_space<vmem>> -> memref<32x768xf32, #tpu.memory_space<vmem>>
    %dma_start3A_212 = arith.constant 192 : i32
    %dma_start3A_213 = tpu.memref_slice %arg5[%dma_start3A_212] : memref<256xi32, #tpu.memory_space<vmem>> -> memref<32xi32, #tpu.memory_space<vmem>>
    %dma_start3A_214 = arith.constant 0 : i32
    %dma_start3A_215 = arith.constant 0 : i32
    %dma_start3A_216 = tpu.memref_slice %arg2[%dma_start3A_214, %dma_start3A_215] : memref<100000x768xf32, #tpu.memory_space<hbm>> -> memref<100000x768xf32, #tpu.memory_space<hbm>>
    tpu.enqueue_indirect_dma source(%dma_start3A_216 : memref<100000x768xf32, #tpu.memory_space<hbm>>) target(%dma_start3A_211 : memref<32x768xf32, #tpu.memory_space<vmem>>) offsets(%dma_start3A_213 : memref<32xi32, #tpu.memory_space<vmem>>) semaphore(%arg9 : memref<!tpu.dma_semaphore, #tpu.memory_space<semaphore_mem>>)
    %dma_wait3A_217 = arith.constant 3 : i32
    %dma_wait3A_218 = arith.constant 0 : i32
    %dma_wait3A_219 = arith.constant 0 : i32
    %dma_wait3A_220 = tpu.memref_slice %arg6[%dma_wait3A_217, %dma_wait3A_218, %dma_wait3A_219] : memref<4x32x768xf32, #tpu.memory_space<vmem>> -> memref<1x32x768xf32, #tpu.memory_space<vmem>>
    %dma_wait3A_221 = tpu.memref_squeeze %dma_wait3A_220 : memref<1x32x768xf32, #tpu.memory_space<vmem>> -> memref<32x768xf32, #tpu.memory_space<vmem>>
    %dma_wait3A_222 = arith.constant 96 : i32
    %dma_wait3A_223 = tpu.memref_slice %arg5[%dma_wait3A_222] : memref<256xi32, #tpu.memory_space<vmem>> -> memref<32xi32, #tpu.memory_space<vmem>>
    %dma_wait3A_224 = arith.constant 0 : i32
    %dma_wait3A_225 = arith.constant 0 : i32
    %dma_wait3A_226 = tpu.memref_slice %arg2[%dma_wait3A_224, %dma_wait3A_225] : memref<100000x768xf32, #tpu.memory_space<hbm>> -> memref<100000x768xf32, #tpu.memory_space<hbm>>
    tpu.wait_indirect_dma semaphore(%arg10 : memref<!tpu.dma_semaphore, #tpu.memory_space<semaphore_mem>>) src(%dma_wait3A_226 : memref<100000x768xf32, #tpu.memory_space<hbm>>) dst(%dma_wait3A_221 : memref<32x768xf32, #tpu.memory_space<vmem>>)
    %add3A_227 = arith.constant 96 : i32
    %add3A_228 = arith.addi %mul3A_2, %add3A_227 : i32
    %dma_start3A_229 = arith.constant 3 : i32
    %dma_start3A_230 = arith.constant 0 : i32
    %dma_start3A_231 = arith.constant 0 : i32
    %dma_start3A_232 = tpu.memref_slice %arg6[%dma_start3A_229, %dma_start3A_230, %dma_start3A_231] : memref<4x32x768xf32, #tpu.memory_space<vmem>> -> memref<1x32x768xf32, #tpu.memory_space<vmem>>
    %dma_start3A_233 = tpu.memref_squeeze %dma_start3A_232 : memref<1x32x768xf32, #tpu.memory_space<vmem>> -> memref<32x768xf32, #tpu.memory_space<vmem>>
    %dma_start3A_234 = arith.constant 0 : i32
    %dma_start3A_235 = tpu.memref_slice %arg4[%add3A_228, %dma_start3A_234] : memref<8192x768xf32, #tpu.memory_space<hbm>> -> memref<32x768xf32, #tpu.memory_space<hbm>>
    %dma_start3A_236 = arith.constant 0 : i32
    %dma_start3A_237 = tpu.memref_slice %arg4[%add3A_228, %dma_start3A_236] : memref<8192x768xf32, #tpu.memory_space<hbm>> -> memref<32x768xf32, #tpu.memory_space<hbm>>
    %dma_start3A_238 = arith.constant 0 : i32
    %dma_start3A_239 = arith.constant 0 : i32
    %dma_start3A_240 = tpu.memref_slice %arg6[%dma_start3A_229, %dma_start3A_238, %dma_start3A_239] : memref<4x32x768xf32, #tpu.memory_space<vmem>> -> memref<1x32x768xf32, #tpu.memory_space<vmem>>
    %dma_start3A_241 = tpu.memref_squeeze %dma_start3A_240 : memref<1x32x768xf32, #tpu.memory_space<vmem>> -> memref<32x768xf32, #tpu.memory_space<vmem>>
    tpu.enqueue_dma source(%dma_start3A_241 : memref<32x768xf32, #tpu.memory_space<vmem>>) target(%dma_start3A_237 : memref<32x768xf32, #tpu.memory_space<hbm>>) target_semaphore(%arg14 : memref<!tpu.dma_semaphore, #tpu.memory_space<semaphore_mem>>)
    %dma_wait3A_242 = arith.constant 3 : i32
    %dma_wait3A_243 = arith.constant 0 : i32
    %dma_wait3A_244 = arith.constant 0 : i32
    %dma_wait3A_245 = tpu.memref_slice %arg6[%dma_wait3A_242, %dma_wait3A_243, %dma_wait3A_244] : memref<4x32x768xf32, #tpu.memory_space<vmem>> -> memref<1x32x768xf32, #tpu.memory_space<vmem>>
    %dma_wait3A_246 = tpu.memref_squeeze %dma_wait3A_245 : memref<1x32x768xf32, #tpu.memory_space<vmem>> -> memref<32x768xf32, #tpu.memory_space<vmem>>
    %dma_wait3A_247 = arith.constant 0 : i32
    %dma_wait3A_248 = tpu.memref_slice %arg4[%add3A_228, %dma_wait3A_247] : memref<8192x768xf32, #tpu.memory_space<hbm>> -> memref<32x768xf32, #tpu.memory_space<hbm>>
    %dma_wait3A_249 = arith.constant 0 : i32
    %dma_wait3A_250 = tpu.memref_slice %arg4[%add3A_228, %dma_wait3A_249] : memref<8192x768xf32, #tpu.memory_space<hbm>> -> memref<32x768xf32, #tpu.memory_space<hbm>>
    %dma_wait3A_251 = arith.constant 0 : i32
    %dma_wait3A_252 = arith.constant 0 : i32
    %dma_wait3A_253 = tpu.memref_slice %arg6[%dma_wait3A_242, %dma_wait3A_251, %dma_wait3A_252] : memref<4x32x768xf32, #tpu.memory_space<vmem>> -> memref<1x32x768xf32, #tpu.memory_space<vmem>>
    %dma_wait3A_254 = tpu.memref_squeeze %dma_wait3A_253 : memref<1x32x768xf32, #tpu.memory_space<vmem>> -> memref<32x768xf32, #tpu.memory_space<vmem>>
    tpu.wait_dma2 semaphore(%arg14 : memref<!tpu.dma_semaphore, #tpu.memory_space<semaphore_mem>>) src(%dma_wait3A_254 : memref<32x768xf32, #tpu.memory_space<vmem>>) dst(%dma_wait3A_250 : memref<32x768xf32, #tpu.memory_space<hbm>>)
    %dma_start3A_255 = arith.constant 3 : i32
    %dma_start3A_256 = arith.constant 0 : i32
    %dma_start3A_257 = arith.constant 0 : i32
    %dma_start3A_258 = tpu.memref_slice %arg6[%dma_start3A_255, %dma_start3A_256, %dma_start3A_257] : memref<4x32x768xf32, #tpu.memory_space<vmem>> -> memref<1x32x768xf32, #tpu.memory_space<vmem>>
    %dma_start3A_259 = tpu.memref_squeeze %dma_start3A_258 : memref<1x32x768xf32, #tpu.memory_space<vmem>> -> memref<32x768xf32, #tpu.memory_space<vmem>>
    %dma_start3A_260 = arith.constant 224 : i32
    %dma_start3A_261 = tpu.memref_slice %arg5[%dma_start3A_260] : memref<256xi32, #tpu.memory_space<vmem>> -> memref<32xi32, #tpu.memory_space<vmem>>
    %dma_start3A_262 = arith.constant 0 : i32
    %dma_start3A_263 = arith.constant 0 : i32
    %dma_start3A_264 = tpu.memref_slice %arg2[%dma_start3A_262, %dma_start3A_263] : memref<100000x768xf32, #tpu.memory_space<hbm>> -> memref<100000x768xf32, #tpu.memory_space<hbm>>
    tpu.enqueue_indirect_dma source(%dma_start3A_264 : memref<100000x768xf32, #tpu.memory_space<hbm>>) target(%dma_start3A_259 : memref<32x768xf32, #tpu.memory_space<vmem>>) offsets(%dma_start3A_261 : memref<32xi32, #tpu.memory_space<vmem>>) semaphore(%arg10 : memref<!tpu.dma_semaphore, #tpu.memory_space<semaphore_mem>>)
    %dma_wait3A_265 = arith.constant 0 : i32
    %dma_wait3A_266 = arith.constant 0 : i32
    %dma_wait3A_267 = arith.constant 0 : i32
    %dma_wait3A_268 = tpu.memref_slice %arg6[%dma_wait3A_265, %dma_wait3A_266, %dma_wait3A_267] : memref<4x32x768xf32, #tpu.memory_space<vmem>> -> memref<1x32x768xf32, #tpu.memory_space<vmem>>
    %dma_wait3A_269 = tpu.memref_squeeze %dma_wait3A_268 : memref<1x32x768xf32, #tpu.memory_space<vmem>> -> memref<32x768xf32, #tpu.memory_space<vmem>>
    %dma_wait3A_270 = arith.constant 128 : i32
    %dma_wait3A_271 = tpu.memref_slice %arg5[%dma_wait3A_270] : memref<256xi32, #tpu.memory_space<vmem>> -> memref<32xi32, #tpu.memory_space<vmem>>
    %dma_wait3A_272 = arith.constant 0 : i32
    %dma_wait3A_273 = arith.constant 0 : i32
    %dma_wait3A_274 = tpu.memref_slice %arg2[%dma_wait3A_272, %dma_wait3A_273] : memref<100000x768xf32, #tpu.memory_space<hbm>> -> memref<100000x768xf32, #tpu.memory_space<hbm>>
    tpu.wait_indirect_dma semaphore(%arg7 : memref<!tpu.dma_semaphore, #tpu.memory_space<semaphore_mem>>) src(%dma_wait3A_274 : memref<100000x768xf32, #tpu.memory_space<hbm>>) dst(%dma_wait3A_269 : memref<32x768xf32, #tpu.memory_space<vmem>>)
    %add3A_275 = arith.constant 128 : i32
    %add3A_276 = arith.addi %mul3A_2, %add3A_275 : i32
    %dma_start3A_277 = arith.constant 0 : i32
    %dma_start3A_278 = arith.constant 0 : i32
    %dma_start3A_279 = arith.constant 0 : i32
    %dma_start3A_280 = tpu.memref_slice %arg6[%dma_start3A_277, %dma_start3A_278, %dma_start3A_279] : memref<4x32x768xf32, #tpu.memory_space<vmem>> -> memref<1x32x768xf32, #tpu.memory_space<vmem>>
    %dma_start3A_281 = tpu.memref_squeeze %dma_start3A_280 : memref<1x32x768xf32, #tpu.memory_space<vmem>> -> memref<32x768xf32, #tpu.memory_space<vmem>>
    %dma_start3A_282 = arith.constant 0 : i32
    %dma_start3A_283 = tpu.memref_slice %arg4[%add3A_276, %dma_start3A_282] : memref<8192x768xf32, #tpu.memory_space<hbm>> -> memref<32x768xf32, #tpu.memory_space<hbm>>
    %dma_start3A_284 = arith.constant 0 : i32
    %dma_start3A_285 = tpu.memref_slice %arg4[%add3A_276, %dma_start3A_284] : memref<8192x768xf32, #tpu.memory_space<hbm>> -> memref<32x768xf32, #tpu.memory_space<hbm>>
    %dma_start3A_286 = arith.constant 0 : i32
    %dma_start3A_287 = arith.constant 0 : i32
    %dma_start3A_288 = tpu.memref_slice %arg6[%dma_start3A_277, %dma_start3A_286, %dma_start3A_287] : memref<4x32x768xf32, #tpu.memory_space<vmem>> -> memref<1x32x768xf32, #tpu.memory_space<vmem>>
    %dma_start3A_289 = tpu.memref_squeeze %dma_start3A_288 : memref<1x32x768xf32, #tpu.memory_space<vmem>> -> memref<32x768xf32, #tpu.memory_space<vmem>>
    tpu.enqueue_dma source(%dma_start3A_289 : memref<32x768xf32, #tpu.memory_space<vmem>>) target(%dma_start3A_285 : memref<32x768xf32, #tpu.memory_space<hbm>>) target_semaphore(%arg11 : memref<!tpu.dma_semaphore, #tpu.memory_space<semaphore_mem>>)
    %dma_wait3A_290 = arith.constant 1 : i32
    %dma_wait3A_291 = arith.constant 0 : i32
    %dma_wait3A_292 = arith.constant 0 : i32
    %dma_wait3A_293 = tpu.memref_slice %arg6[%dma_wait3A_290, %dma_wait3A_291, %dma_wait3A_292] : memref<4x32x768xf32, #tpu.memory_space<vmem>> -> memref<1x32x768xf32, #tpu.memory_space<vmem>>
    %dma_wait3A_294 = tpu.memref_squeeze %dma_wait3A_293 : memref<1x32x768xf32, #tpu.memory_space<vmem>> -> memref<32x768xf32, #tpu.memory_space<vmem>>
    %dma_wait3A_295 = arith.constant 160 : i32
    %dma_wait3A_296 = tpu.memref_slice %arg5[%dma_wait3A_295] : memref<256xi32, #tpu.memory_space<vmem>> -> memref<32xi32, #tpu.memory_space<vmem>>
    %dma_wait3A_297 = arith.constant 0 : i32
    %dma_wait3A_298 = arith.constant 0 : i32
    %dma_wait3A_299 = tpu.memref_slice %arg2[%dma_wait3A_297, %dma_wait3A_298] : memref<100000x768xf32, #tpu.memory_space<hbm>> -> memref<100000x768xf32, #tpu.memory_space<hbm>>
    tpu.wait_indirect_dma semaphore(%arg8 : memref<!tpu.dma_semaphore, #tpu.memory_space<semaphore_mem>>) src(%dma_wait3A_299 : memref<100000x768xf32, #tpu.memory_space<hbm>>) dst(%dma_wait3A_294 : memref<32x768xf32, #tpu.memory_space<vmem>>)
    %add3A_300 = arith.constant 160 : i32
    %add3A_301 = arith.addi %mul3A_2, %add3A_300 : i32
    %dma_start3A_302 = arith.constant 1 : i32
    %dma_start3A_303 = arith.constant 0 : i32
    %dma_start3A_304 = arith.constant 0 : i32
    %dma_start3A_305 = tpu.memref_slice %arg6[%dma_start3A_302, %dma_start3A_303, %dma_start3A_304] : memref<4x32x768xf32, #tpu.memory_space<vmem>> -> memref<1x32x768xf32, #tpu.memory_space<vmem>>
    %dma_start3A_306 = tpu.memref_squeeze %dma_start3A_305 : memref<1x32x768xf32, #tpu.memory_space<vmem>> -> memref<32x768xf32, #tpu.memory_space<vmem>>
    %dma_start3A_307 = arith.constant 0 : i32
    %dma_start3A_308 = tpu.memref_slice %arg4[%add3A_301, %dma_start3A_307] : memref<8192x768xf32, #tpu.memory_space<hbm>> -> memref<32x768xf32, #tpu.memory_space<hbm>>
    %dma_start3A_309 = arith.constant 0 : i32
    %dma_start3A_310 = tpu.memref_slice %arg4[%add3A_301, %dma_start3A_309] : memref<8192x768xf32, #tpu.memory_space<hbm>> -> memref<32x768xf32, #tpu.memory_space<hbm>>
    %dma_start3A_311 = arith.constant 0 : i32
    %dma_start3A_312 = arith.constant 0 : i32
    %dma_start3A_313 = tpu.memref_slice %arg6[%dma_start3A_302, %dma_start3A_311, %dma_start3A_312] : memref<4x32x768xf32, #tpu.memory_space<vmem>> -> memref<1x32x768xf32, #tpu.memory_space<vmem>>
    %dma_start3A_314 = tpu.memref_squeeze %dma_start3A_313 : memref<1x32x768xf32, #tpu.memory_space<vmem>> -> memref<32x768xf32, #tpu.memory_space<vmem>>
    tpu.enqueue_dma source(%dma_start3A_314 : memref<32x768xf32, #tpu.memory_space<vmem>>) target(%dma_start3A_310 : memref<32x768xf32, #tpu.memory_space<hbm>>) target_semaphore(%arg12 : memref<!tpu.dma_semaphore, #tpu.memory_space<semaphore_mem>>)
    %dma_wait3A_315 = arith.constant 2 : i32
    %dma_wait3A_316 = arith.constant 0 : i32
    %dma_wait3A_317 = arith.constant 0 : i32
    %dma_wait3A_318 = tpu.memref_slice %arg6[%dma_wait3A_315, %dma_wait3A_316, %dma_wait3A_317] : memref<4x32x768xf32, #tpu.memory_space<vmem>> -> memref<1x32x768xf32, #tpu.memory_space<vmem>>
    %dma_wait3A_319 = tpu.memref_squeeze %dma_wait3A_318 : memref<1x32x768xf32, #tpu.memory_space<vmem>> -> memref<32x768xf32, #tpu.memory_space<vmem>>
    %dma_wait3A_320 = arith.constant 192 : i32
    %dma_wait3A_321 = tpu.memref_slice %arg5[%dma_wait3A_320] : memref<256xi32, #tpu.memory_space<vmem>> -> memref<32xi32, #tpu.memory_space<vmem>>
    %dma_wait3A_322 = arith.constant 0 : i32
    %dma_wait3A_323 = arith.constant 0 : i32
    %dma_wait3A_324 = tpu.memref_slice %arg2[%dma_wait3A_322, %dma_wait3A_323] : memref<100000x768xf32, #tpu.memory_space<hbm>> -> memref<100000x768xf32, #tpu.memory_space<hbm>>
    tpu.wait_indirect_dma semaphore(%arg9 : memref<!tpu.dma_semaphore, #tpu.memory_space<semaphore_mem>>) src(%dma_wait3A_324 : memref<100000x768xf32, #tpu.memory_space<hbm>>) dst(%dma_wait3A_319 : memref<32x768xf32, #tpu.memory_space<vmem>>)
    %add3A_325 = arith.constant 192 : i32
    %add3A_326 = arith.addi %mul3A_2, %add3A_325 : i32
    %dma_start3A_327 = arith.constant 2 : i32
    %dma_start3A_328 = arith.constant 0 : i32
    %dma_start3A_329 = arith.constant 0 : i32
    %dma_start3A_330 = tpu.memref_slice %arg6[%dma_start3A_327, %dma_start3A_328, %dma_start3A_329] : memref<4x32x768xf32, #tpu.memory_space<vmem>> -> memref<1x32x768xf32, #tpu.memory_space<vmem>>
    %dma_start3A_331 = tpu.memref_squeeze %dma_start3A_330 : memref<1x32x768xf32, #tpu.memory_space<vmem>> -> memref<32x768xf32, #tpu.memory_space<vmem>>
    %dma_start3A_332 = arith.constant 0 : i32
    %dma_start3A_333 = tpu.memref_slice %arg4[%add3A_326, %dma_start3A_332] : memref<8192x768xf32, #tpu.memory_space<hbm>> -> memref<32x768xf32, #tpu.memory_space<hbm>>
    %dma_start3A_334 = arith.constant 0 : i32
    %dma_start3A_335 = tpu.memref_slice %arg4[%add3A_326, %dma_start3A_334] : memref<8192x768xf32, #tpu.memory_space<hbm>> -> memref<32x768xf32, #tpu.memory_space<hbm>>
    %dma_start3A_336 = arith.constant 0 : i32
    %dma_start3A_337 = arith.constant 0 : i32
    %dma_start3A_338 = tpu.memref_slice %arg6[%dma_start3A_327, %dma_start3A_336, %dma_start3A_337] : memref<4x32x768xf32, #tpu.memory_space<vmem>> -> memref<1x32x768xf32, #tpu.memory_space<vmem>>
    %dma_start3A_339 = tpu.memref_squeeze %dma_start3A_338 : memref<1x32x768xf32, #tpu.memory_space<vmem>> -> memref<32x768xf32, #tpu.memory_space<vmem>>
    tpu.enqueue_dma source(%dma_start3A_339 : memref<32x768xf32, #tpu.memory_space<vmem>>) target(%dma_start3A_335 : memref<32x768xf32, #tpu.memory_space<hbm>>) target_semaphore(%arg13 : memref<!tpu.dma_semaphore, #tpu.memory_space<semaphore_mem>>)
    %dma_wait3A_340 = arith.constant 3 : i32
    %dma_wait3A_341 = arith.constant 0 : i32
    %dma_wait3A_342 = arith.constant 0 : i32
    %dma_wait3A_343 = tpu.memref_slice %arg6[%dma_wait3A_340, %dma_wait3A_341, %dma_wait3A_342] : memref<4x32x768xf32, #tpu.memory_space<vmem>> -> memref<1x32x768xf32, #tpu.memory_space<vmem>>
    %dma_wait3A_344 = tpu.memref_squeeze %dma_wait3A_343 : memref<1x32x768xf32, #tpu.memory_space<vmem>> -> memref<32x768xf32, #tpu.memory_space<vmem>>
    %dma_wait3A_345 = arith.constant 224 : i32
    %dma_wait3A_346 = tpu.memref_slice %arg5[%dma_wait3A_345] : memref<256xi32, #tpu.memory_space<vmem>> -> memref<32xi32, #tpu.memory_space<vmem>>
    %dma_wait3A_347 = arith.constant 0 : i32
    %dma_wait3A_348 = arith.constant 0 : i32
    %dma_wait3A_349 = tpu.memref_slice %arg2[%dma_wait3A_347, %dma_wait3A_348] : memref<100000x768xf32, #tpu.memory_space<hbm>> -> memref<100000x768xf32, #tpu.memory_space<hbm>>
    tpu.wait_indirect_dma semaphore(%arg10 : memref<!tpu.dma_semaphore, #tpu.memory_space<semaphore_mem>>) src(%dma_wait3A_349 : memref<100000x768xf32, #tpu.memory_space<hbm>>) dst(%dma_wait3A_344 : memref<32x768xf32, #tpu.memory_space<vmem>>)
    %add3A_350 = arith.constant 224 : i32
    %add3A_351 = arith.addi %mul3A_2, %add3A_350 : i32
    %dma_start3A_352 = arith.constant 3 : i32
    %dma_start3A_353 = arith.constant 0 : i32
    %dma_start3A_354 = arith.constant 0 : i32
    %dma_start3A_355 = tpu.memref_slice %arg6[%dma_start3A_352, %dma_start3A_353, %dma_start3A_354] : memref<4x32x768xf32, #tpu.memory_space<vmem>> -> memref<1x32x768xf32, #tpu.memory_space<vmem>>
    %dma_start3A_356 = tpu.memref_squeeze %dma_start3A_355 : memref<1x32x768xf32, #tpu.memory_space<vmem>> -> memref<32x768xf32, #tpu.memory_space<vmem>>
    %dma_start3A_357 = arith.constant 0 : i32
    %dma_start3A_358 = tpu.memref_slice %arg4[%add3A_351, %dma_start3A_357] : memref<8192x768xf32, #tpu.memory_space<hbm>> -> memref<32x768xf32, #tpu.memory_space<hbm>>
    %dma_start3A_359 = arith.constant 0 : i32
    %dma_start3A_360 = tpu.memref_slice %arg4[%add3A_351, %dma_start3A_359] : memref<8192x768xf32, #tpu.memory_space<hbm>> -> memref<32x768xf32, #tpu.memory_space<hbm>>
    %dma_start3A_361 = arith.constant 0 : i32
    %dma_start3A_362 = arith.constant 0 : i32
    %dma_start3A_363 = tpu.memref_slice %arg6[%dma_start3A_352, %dma_start3A_361, %dma_start3A_362] : memref<4x32x768xf32, #tpu.memory_space<vmem>> -> memref<1x32x768xf32, #tpu.memory_space<vmem>>
    %dma_start3A_364 = tpu.memref_squeeze %dma_start3A_363 : memref<1x32x768xf32, #tpu.memory_space<vmem>> -> memref<32x768xf32, #tpu.memory_space<vmem>>
    tpu.enqueue_dma source(%dma_start3A_364 : memref<32x768xf32, #tpu.memory_space<vmem>>) target(%dma_start3A_360 : memref<32x768xf32, #tpu.memory_space<hbm>>) target_semaphore(%arg14 : memref<!tpu.dma_semaphore, #tpu.memory_space<semaphore_mem>>)
    %dma_wait3A_365 = arith.constant 0 : i32
    %dma_wait3A_366 = arith.constant 0 : i32
    %dma_wait3A_367 = arith.constant 0 : i32
    %dma_wait3A_368 = tpu.memref_slice %arg6[%dma_wait3A_365, %dma_wait3A_366, %dma_wait3A_367] : memref<4x32x768xf32, #tpu.memory_space<vmem>> -> memref<1x32x768xf32, #tpu.memory_space<vmem>>
    %dma_wait3A_369 = tpu.memref_squeeze %dma_wait3A_368 : memref<1x32x768xf32, #tpu.memory_space<vmem>> -> memref<32x768xf32, #tpu.memory_space<vmem>>
    %dma_wait3A_370 = arith.constant 0 : i32
    %dma_wait3A_371 = tpu.memref_slice %arg4[%add3A_276, %dma_wait3A_370] : memref<8192x768xf32, #tpu.memory_space<hbm>> -> memref<32x768xf32, #tpu.memory_space<hbm>>
    %dma_wait3A_372 = arith.constant 0 : i32
    %dma_wait3A_373 = tpu.memref_slice %arg4[%add3A_276, %dma_wait3A_372] : memref<8192x768xf32, #tpu.memory_space<hbm>> -> memref<32x768xf32, #tpu.memory_space<hbm>>
    %dma_wait3A_374 = arith.constant 0 : i32
    %dma_wait3A_375 = arith.constant 0 : i32
    %dma_wait3A_376 = tpu.memref_slice %arg6[%dma_wait3A_365, %dma_wait3A_374, %dma_wait3A_375] : memref<4x32x768xf32, #tpu.memory_space<vmem>> -> memref<1x32x768xf32, #tpu.memory_space<vmem>>
    %dma_wait3A_377 = tpu.memref_squeeze %dma_wait3A_376 : memref<1x32x768xf32, #tpu.memory_space<vmem>> -> memref<32x768xf32, #tpu.memory_space<vmem>>
    tpu.wait_dma2 semaphore(%arg11 : memref<!tpu.dma_semaphore, #tpu.memory_space<semaphore_mem>>) src(%dma_wait3A_377 : memref<32x768xf32, #tpu.memory_space<vmem>>) dst(%dma_wait3A_373 : memref<32x768xf32, #tpu.memory_space<hbm>>)
    %dma_wait3A_378 = arith.constant 1 : i32
    %dma_wait3A_379 = arith.constant 0 : i32
    %dma_wait3A_380 = arith.constant 0 : i32
    %dma_wait3A_381 = tpu.memref_slice %arg6[%dma_wait3A_378, %dma_wait3A_379, %dma_wait3A_380] : memref<4x32x768xf32, #tpu.memory_space<vmem>> -> memref<1x32x768xf32, #tpu.memory_space<vmem>>
    %dma_wait3A_382 = tpu.memref_squeeze %dma_wait3A_381 : memref<1x32x768xf32, #tpu.memory_space<vmem>> -> memref<32x768xf32, #tpu.memory_space<vmem>>
    %dma_wait3A_383 = arith.constant 0 : i32
    %dma_wait3A_384 = tpu.memref_slice %arg4[%add3A_301, %dma_wait3A_383] : memref<8192x768xf32, #tpu.memory_space<hbm>> -> memref<32x768xf32, #tpu.memory_space<hbm>>
    %dma_wait3A_385 = arith.constant 0 : i32
    %dma_wait3A_386 = tpu.memref_slice %arg4[%add3A_301, %dma_wait3A_385] : memref<8192x768xf32, #tpu.memory_space<hbm>> -> memref<32x768xf32, #tpu.memory_space<hbm>>
    %dma_wait3A_387 = arith.constant 0 : i32
    %dma_wait3A_388 = arith.constant 0 : i32
    %dma_wait3A_389 = tpu.memref_slice %arg6[%dma_wait3A_378, %dma_wait3A_387, %dma_wait3A_388] : memref<4x32x768xf32, #tpu.memory_space<vmem>> -> memref<1x32x768xf32, #tpu.memory_space<vmem>>
    %dma_wait3A_390 = tpu.memref_squeeze %dma_wait3A_389 : memref<1x32x768xf32, #tpu.memory_space<vmem>> -> memref<32x768xf32, #tpu.memory_space<vmem>>
    tpu.wait_dma2 semaphore(%arg12 : memref<!tpu.dma_semaphore, #tpu.memory_space<semaphore_mem>>) src(%dma_wait3A_390 : memref<32x768xf32, #tpu.memory_space<vmem>>) dst(%dma_wait3A_386 : memref<32x768xf32, #tpu.memory_space<hbm>>)
    %dma_wait3A_391 = arith.constant 2 : i32
    %dma_wait3A_392 = arith.constant 0 : i32
    %dma_wait3A_393 = arith.constant 0 : i32
    %dma_wait3A_394 = tpu.memref_slice %arg6[%dma_wait3A_391, %dma_wait3A_392, %dma_wait3A_393] : memref<4x32x768xf32, #tpu.memory_space<vmem>> -> memref<1x32x768xf32, #tpu.memory_space<vmem>>
    %dma_wait3A_395 = tpu.memref_squeeze %dma_wait3A_394 : memref<1x32x768xf32, #tpu.memory_space<vmem>> -> memref<32x768xf32, #tpu.memory_space<vmem>>
    %dma_wait3A_396 = arith.constant 0 : i32
    %dma_wait3A_397 = tpu.memref_slice %arg4[%add3A_326, %dma_wait3A_396] : memref<8192x768xf32, #tpu.memory_space<hbm>> -> memref<32x768xf32, #tpu.memory_space<hbm>>
    %dma_wait3A_398 = arith.constant 0 : i32
    %dma_wait3A_399 = tpu.memref_slice %arg4[%add3A_326, %dma_wait3A_398] : memref<8192x768xf32, #tpu.memory_space<hbm>> -> memref<32x768xf32, #tpu.memory_space<hbm>>
    %dma_wait3A_400 = arith.constant 0 : i32
    %dma_wait3A_401 = arith.constant 0 : i32
    %dma_wait3A_402 = tpu.memref_slice %arg6[%dma_wait3A_391, %dma_wait3A_400, %dma_wait3A_401] : memref<4x32x768xf32, #tpu.memory_space<vmem>> -> memref<1x32x768xf32, #tpu.memory_space<vmem>>
    %dma_wait3A_403 = tpu.memref_squeeze %dma_wait3A_402 : memref<1x32x768xf32, #tpu.memory_space<vmem>> -> memref<32x768xf32, #tpu.memory_space<vmem>>
    tpu.wait_dma2 semaphore(%arg13 : memref<!tpu.dma_semaphore, #tpu.memory_space<semaphore_mem>>) src(%dma_wait3A_403 : memref<32x768xf32, #tpu.memory_space<vmem>>) dst(%dma_wait3A_399 : memref<32x768xf32, #tpu.memory_space<hbm>>)
    %dma_wait3A_404 = arith.constant 3 : i32
    %dma_wait3A_405 = arith.constant 0 : i32
    %dma_wait3A_406 = arith.constant 0 : i32
    %dma_wait3A_407 = tpu.memref_slice %arg6[%dma_wait3A_404, %dma_wait3A_405, %dma_wait3A_406] : memref<4x32x768xf32, #tpu.memory_space<vmem>> -> memref<1x32x768xf32, #tpu.memory_space<vmem>>
    %dma_wait3A_408 = tpu.memref_squeeze %dma_wait3A_407 : memref<1x32x768xf32, #tpu.memory_space<vmem>> -> memref<32x768xf32, #tpu.memory_space<vmem>>
    %dma_wait3A_409 = arith.constant 0 : i32
    %dma_wait3A_410 = tpu.memref_slice %arg4[%add3A_351, %dma_wait3A_409] : memref<8192x768xf32, #tpu.memory_space<hbm>> -> memref<32x768xf32, #tpu.memory_space<hbm>>
    %dma_wait3A_411 = arith.constant 0 : i32
    %dma_wait3A_412 = tpu.memref_slice %arg4[%add3A_351, %dma_wait3A_411] : memref<8192x768xf32, #tpu.memory_space<hbm>> -> memref<32x768xf32, #tpu.memory_space<hbm>>
    %dma_wait3A_413 = arith.constant 0 : i32
    %dma_wait3A_414 = arith.constant 0 : i32
    %dma_wait3A_415 = tpu.memref_slice %arg6[%dma_wait3A_404, %dma_wait3A_413, %dma_wait3A_414] : memref<4x32x768xf32, #tpu.memory_space<vmem>> -> memref<1x32x768xf32, #tpu.memory_space<vmem>>
    %dma_wait3A_416 = tpu.memref_squeeze %dma_wait3A_415 : memref<1x32x768xf32, #tpu.memory_space<vmem>> -> memref<32x768xf32, #tpu.memory_space<vmem>>
    tpu.wait_dma2 semaphore(%arg14 : memref<!tpu.dma_semaphore, #tpu.memory_space<semaphore_mem>>) src(%dma_wait3A_416 : memref<32x768xf32, #tpu.memory_space<vmem>>) dst(%dma_wait3A_412 : memref<32x768xf32, #tpu.memory_space<hbm>>)
    return
  }
}

module attributes {stable_mosaic.version = 14 : i64} {
  func.func @_tc_body(%arg0: i32, %arg1: memref<1024x768xf32, #tpu.memory_space<vmem>>, %arg2: memref<1x1x1024xf32, #tpu.memory_space<vmem>>, %arg3: memref<1x1x1024xf32, #tpu.memory_space<vmem>>, %arg4: memref<1x1x1024xf32, #tpu.memory_space<vmem>>, %arg5: memref<1x1x1024xi32, #tpu.memory_space<vmem>>, %arg6: memref<1x1x1024xi32, #tpu.memory_space<vmem>>, %arg7: memref<1x1x1024xi32, #tpu.memory_space<vmem>>, %arg8: memref<832x768xf32, #tpu.memory_space<vmem>>, %arg9: memref<1x768xf32, #tpu.memory_space<vmem>>, %arg10: memref<524x768xf32, #tpu.memory_space<vmem>>, %arg11: memref<32x1xf32, #tpu.memory_space<vmem>>, %arg12: memref<32x1xf32, #tpu.memory_space<vmem>>, %arg13: memref<32x1xf32, #tpu.memory_space<vmem>>, %arg14: memref<32x1xf32, #tpu.memory_space<vmem>>, %arg15: memref<1x768xf32, #tpu.memory_space<vmem>>, %arg16: memref<1x768xf32, #tpu.memory_space<vmem>>, %arg17: memref<1024x768xf32, #tpu.memory_space<vmem>>) attributes {dimension_semantics = [#tpu.dimension_semantics<arbitrary>], iteration_bounds = array<i64: 8>, scalar_prefetch = 0 : i64, scratch_operands = 0 : i64, tpu.core_type = #tpu.core_type<tc>, window_params = [{transform_indices = @transform_0, window_bounds = array<i64: 1024, 768>}, {transform_indices = @transform_1, window_bounds = array<i64: 1, 1, 1024>}, {transform_indices = @transform_2, window_bounds = array<i64: 1, 1, 1024>}, {transform_indices = @transform_3, window_bounds = array<i64: 1, 1, 1024>}, {transform_indices = @transform_4, window_bounds = array<i64: 1, 1, 1024>}, {transform_indices = @transform_5, window_bounds = array<i64: 1, 1, 1024>}, {transform_indices = @transform_6, window_bounds = array<i64: 1, 1, 1024>}, {pipeline_mode = #tpu.pipeline_mode<synchronous>, transform_indices = @transform_7, window_bounds = array<i64: 832, 768>}, {pipeline_mode = #tpu.pipeline_mode<synchronous>, transform_indices = @transform_8, window_bounds = array<i64: 1, 768>}, {pipeline_mode = #tpu.pipeline_mode<synchronous>, transform_indices = @transform_9, window_bounds = array<i64: 524, 768>}, {pipeline_mode = #tpu.pipeline_mode<synchronous>, transform_indices = @transform_10, window_bounds = array<i64: 32, 1>}, {pipeline_mode = #tpu.pipeline_mode<synchronous>, transform_indices = @transform_11, window_bounds = array<i64: 32, 1>}, {pipeline_mode = #tpu.pipeline_mode<synchronous>, transform_indices = @transform_12, window_bounds = array<i64: 32, 1>}, {pipeline_mode = #tpu.pipeline_mode<synchronous>, transform_indices = @transform_13, window_bounds = array<i64: 32, 1>}, {pipeline_mode = #tpu.pipeline_mode<synchronous>, transform_indices = @transform_14, window_bounds = array<i64: 1, 768>}, {pipeline_mode = #tpu.pipeline_mode<synchronous>, transform_indices = @transform_15, window_bounds = array<i64: 1, 768>}, {transform_indices = @transform_16, window_bounds = array<i64: 1024, 768>}]} {
    %get3A = arith.constant 0 : index
    %get3A_0 = arith.constant 0 : index
    %get3A_1 = arith.constant 0 : index
    %get3A_2 = vector.load %arg2[%get3A, %get3A_0, %get3A_1] : memref<1x1x1024xf32, #tpu.memory_space<vmem>>, vector<1x1x1024xf32>
    %get3A_3 = vector.shape_cast %get3A_2 : vector<1x1x1024xf32> to vector<1x1024xf32>
    %get3A_4 = arith.constant 0 : index
    %get3A_5 = arith.constant 0 : index
    %get3A_6 = arith.constant 0 : index
    %get3A_7 = vector.load %arg3[%get3A_4, %get3A_5, %get3A_6] : memref<1x1x1024xf32, #tpu.memory_space<vmem>>, vector<1x1x1024xf32>
    %get3A_8 = vector.shape_cast %get3A_7 : vector<1x1x1024xf32> to vector<1x1024xf32>
    %sub3A = arith.subf %get3A_3, %get3A_8 : vector<1x1024xf32>
    %get3A_9 = arith.constant 0 : index
    %get3A_10 = arith.constant 0 : index
    %get3A_11 = arith.constant 0 : index
    %get3A_12 = vector.load %arg4[%get3A_9, %get3A_10, %get3A_11] : memref<1x1x1024xf32, #tpu.memory_space<vmem>>, vector<1x1x1024xf32>
    %get3A_13 = vector.shape_cast %get3A_12 : vector<1x1x1024xf32> to vector<1x1024xf32>
    %get3A_14 = arith.constant 0 : index
    %get3A_15 = arith.constant 0 : index
    %get3A_16 = vector.load %arg11[%get3A_14, %get3A_15] : memref<32x1xf32, #tpu.memory_space<vmem>>, vector<32x1xf32>
    %mul3A = vector.broadcast %get3A_16 : vector<32x1xf32> to vector<32x1024xf32>
    %mul3A_17 = vector.broadcast %sub3A : vector<1x1024xf32> to vector<32x1024xf32>
    %mul3A_18 = arith.mulf %mul3A, %mul3A_17 : vector<32x1024xf32>
    %get3A_19 = arith.constant 0 : index
    %get3A_20 = arith.constant 0 : index
    %get3A_21 = vector.load %arg12[%get3A_19, %get3A_20] : memref<32x1xf32, #tpu.memory_space<vmem>>, vector<32x1xf32>
    %add3A = vector.broadcast %get3A_21 : vector<32x1xf32> to vector<32x1024xf32>
    %add3A_22 = arith.addf %mul3A_18, %add3A : vector<32x1024xf32>
    %get3A_23 = arith.constant 0 : index
    %get3A_24 = arith.constant 0 : index
    %get3A_25 = vector.load %arg13[%get3A_23, %get3A_24] : memref<32x1xf32, #tpu.memory_space<vmem>>, vector<32x1xf32>
    %mul3A_26 = vector.broadcast %get3A_25 : vector<32x1xf32> to vector<32x1024xf32>
    %mul3A_27 = vector.broadcast %get3A_13 : vector<1x1024xf32> to vector<32x1024xf32>
    %mul3A_28 = arith.mulf %mul3A_26, %mul3A_27 : vector<32x1024xf32>
    %get3A_29 = arith.constant 0 : index
    %get3A_30 = arith.constant 0 : index
    %get3A_31 = vector.load %arg14[%get3A_29, %get3A_30] : memref<32x1xf32, #tpu.memory_space<vmem>>, vector<32x1xf32>
    %add3A_32 = vector.broadcast %get3A_31 : vector<32x1xf32> to vector<32x1024xf32>
    %add3A_33 = arith.addf %mul3A_28, %add3A_32 : vector<32x1024xf32>
    %concatenate3A = tpu.concatenate %add3A_22, %add3A_33 in 0 : vector<32x1024xf32>, vector<32x1024xf32> -> vector<64x1024xf32>
    %mul3A_34 = arith.mulf %concatenate3A, %concatenate3A : vector<64x1024xf32>
    %mul3A_35 = arith.constant 2.75573188E-6 : f32
    %mul3A_36 = vector.broadcast %mul3A_35 : f32 to vector<64x1024xf32>
    %mul3A_37 = arith.mulf %mul3A_34, %mul3A_36 : vector<64x1024xf32>
    %add3A_38 = arith.constant -1.98412701E-4 : f32
    %add3A_39 = vector.broadcast %add3A_38 : f32 to vector<64x1024xf32>
    %add3A_40 = arith.addf %add3A_39, %mul3A_37 : vector<64x1024xf32>
    %mul3A_41 = arith.mulf %mul3A_34, %add3A_40 : vector<64x1024xf32>
    %add3A_42 = arith.constant 0.00833333377 : f32
    %add3A_43 = vector.broadcast %add3A_42 : f32 to vector<64x1024xf32>
    %add3A_44 = arith.addf %add3A_43, %mul3A_41 : vector<64x1024xf32>
    %mul3A_45 = arith.mulf %mul3A_34, %add3A_44 : vector<64x1024xf32>
    %add3A_46 = arith.constant -0.166666672 : f32
    %add3A_47 = vector.broadcast %add3A_46 : f32 to vector<64x1024xf32>
    %add3A_48 = arith.addf %add3A_47, %mul3A_45 : vector<64x1024xf32>
    %mul3A_49 = arith.mulf %mul3A_34, %add3A_48 : vector<64x1024xf32>
    %add3A_50 = arith.constant 1.000000e+00 : f32
    %add3A_51 = vector.broadcast %add3A_50 : f32 to vector<64x1024xf32>
    %add3A_52 = arith.addf %add3A_51, %mul3A_49 : vector<64x1024xf32>
    %mul3A_53 = arith.mulf %concatenate3A, %add3A_52 : vector<64x1024xf32>
    %get3A_54 = arith.constant 0 : index
    %get3A_55 = arith.constant 0 : index
    %get3A_56 = vector.load %arg1[%get3A_54, %get3A_55] : memref<1024x768xf32, #tpu.memory_space<vmem>>, vector<1024x768xf32>
    %convert_element_type3A = arith.truncf %get3A_56 : vector<1024x768xf32> to vector<1024x768xbf16>
    %get3A_57 = arith.constant 0 : index
    %get3A_58 = arith.constant 0 : index
    %get3A_59 = vector.load %arg8[%get3A_57, %get3A_58] : memref<832x768xf32, #tpu.memory_space<vmem>>, vector<832x768xf32>
    %convert_element_type3A_60 = arith.truncf %get3A_59 : vector<832x768xf32> to vector<832x768xbf16>
    %slice3A = vector.extract_strided_slice %convert_element_type3A_60 {offsets = [0, 0], sizes = [768, 768], strides = [1, 1]} : vector<832x768xbf16> to vector<768x768xbf16>
    %dot_general3A = arith.constant dense<0.000000e+00> : vector<1024x768xf32>
    %dot_general3A_61 = tpu.matmul %convert_element_type3A, %slice3A, %dot_general3A {dimension_numbers = #tpu.dot_dimension_numbers<[1], [0], [0], [1], [0, 0, 1, 1], [], []>, transpose_lhs_hint = false} : vector<1024x768xbf16>, vector<768x768xbf16>, vector<1024x768xf32> -> vector<1024x768xf32>
    %convert_element_type3A_62 = arith.truncf %mul3A_53 : vector<64x1024xf32> to vector<64x1024xbf16>
    %slice3A_63 = vector.extract_strided_slice %convert_element_type3A_60 {offsets = [768, 0], sizes = [64, 768], strides = [1, 1]} : vector<832x768xbf16> to vector<64x768xbf16>
    %dot_general3A_64 = arith.constant dense<0.000000e+00> : vector<1024x768xf32>
    %dot_general3A_65 = tpu.matmul %convert_element_type3A_62, %slice3A_63, %dot_general3A_64 {dimension_numbers = #tpu.dot_dimension_numbers<[0], [0], [1], [1], [0, 1, 1, 1], [], []>, transpose_lhs_hint = false} : vector<64x1024xbf16>, vector<64x768xbf16>, vector<1024x768xf32> -> vector<1024x768xf32>
    %add3A_66 = arith.addf %dot_general3A_61, %dot_general3A_65 : vector<1024x768xf32>
    %get3A_67 = arith.constant 0 : index
    %get3A_68 = arith.constant 0 : index
    %get3A_69 = vector.load %arg9[%get3A_67, %get3A_68] : memref<1x768xf32, #tpu.memory_space<vmem>>, vector<1x768xf32>
    %add3A_70 = vector.broadcast %get3A_69 : vector<1x768xf32> to vector<1024x768xf32>
    %add3A_71 = arith.addf %add3A_66, %add3A_70 : vector<1024x768xf32>
    %tanh3A = math.tanh %add3A_71 : vector<1024x768xf32>
    %iota3A = tpu.iota {dimensions = array<i32: 0>} : vector<524x1024xi32>
    %get3A_72 = arith.constant 0 : index
    %get3A_73 = arith.constant 0 : index
    %get3A_74 = arith.constant 0 : index
    %get3A_75 = vector.load %arg5[%get3A_72, %get3A_73, %get3A_74] : memref<1x1x1024xi32, #tpu.memory_space<vmem>>, vector<1x1x1024xi32>
    %get3A_76 = vector.shape_cast %get3A_75 : vector<1x1x1024xi32> to vector<1x1024xi32>
    %eq3A = vector.broadcast %get3A_76 : vector<1x1024xi32> to vector<524x1024xi32>
    %eq3A_77 = arith.cmpi eq, %iota3A, %eq3A : vector<524x1024xi32>
    %get3A_78 = arith.constant 0 : index
    %get3A_79 = arith.constant 0 : index
    %get3A_80 = arith.constant 0 : index
    %get3A_81 = vector.load %arg6[%get3A_78, %get3A_79, %get3A_80] : memref<1x1x1024xi32, #tpu.memory_space<vmem>>, vector<1x1x1024xi32>
    %get3A_82 = vector.shape_cast %get3A_81 : vector<1x1x1024xi32> to vector<1x1024xi32>
    %add3A_83 = arith.constant 9 : i32
    %add3A_84 = vector.broadcast %add3A_83 : i32 to vector<1x1024xi32>
    %add3A_85 = arith.addi %get3A_82, %add3A_84 : vector<1x1024xi32>
    %eq3A_86 = vector.broadcast %add3A_85 : vector<1x1024xi32> to vector<524x1024xi32>
    %eq3A_87 = arith.cmpi eq, %iota3A, %eq3A_86 : vector<524x1024xi32>
    %or3A = arith.ori %eq3A_77, %eq3A_87 : vector<524x1024xi1>
    %get3A_88 = arith.constant 0 : index
    %get3A_89 = arith.constant 0 : index
    %get3A_90 = arith.constant 0 : index
    %get3A_91 = vector.load %arg7[%get3A_88, %get3A_89, %get3A_90] : memref<1x1x1024xi32, #tpu.memory_space<vmem>>, vector<1x1x1024xi32>
    %get3A_92 = vector.shape_cast %get3A_91 : vector<1x1x1024xi32> to vector<1x1024xi32>
    %add3A_93 = arith.constant 521 : i32
    %add3A_94 = vector.broadcast %add3A_93 : i32 to vector<1x1024xi32>
    %add3A_95 = arith.addi %get3A_92, %add3A_94 : vector<1x1024xi32>
    %eq3A_96 = vector.broadcast %add3A_95 : vector<1x1024xi32> to vector<524x1024xi32>
    %eq3A_97 = arith.cmpi eq, %iota3A, %eq3A_96 : vector<524x1024xi32>
    %or3A_98 = arith.ori %or3A, %eq3A_97 : vector<524x1024xi1>
    %convert_element_type3A_99 = arith.extui %or3A_98 : vector<524x1024xi1> to vector<524x1024xi32>
    %convert_element_type3A_100 = arith.sitofp %convert_element_type3A_99 : vector<524x1024xi32> to vector<524x1024xf32>
    %convert_element_type3A_101 = arith.truncf %convert_element_type3A_100 : vector<524x1024xf32> to vector<524x1024xbf16>
    %get3A_102 = arith.constant 0 : index
    %get3A_103 = arith.constant 0 : index
    %get3A_104 = vector.load %arg10[%get3A_102, %get3A_103] : memref<524x768xf32, #tpu.memory_space<vmem>>, vector<524x768xf32>
    %convert_element_type3A_105 = arith.truncf %get3A_104 : vector<524x768xf32> to vector<524x768xbf16>
    %dot_general3A_106 = arith.constant dense<0.000000e+00> : vector<1024x768xf32>
    %dot_general3A_107 = tpu.matmul %convert_element_type3A_101, %convert_element_type3A_105, %dot_general3A_106 {dimension_numbers = #tpu.dot_dimension_numbers<[0], [0], [1], [1], [0, 1, 1, 1], [], []>, transpose_lhs_hint = false} : vector<524x1024xbf16>, vector<524x768xbf16>, vector<1024x768xf32> -> vector<1024x768xf32>
    %add3A_108 = arith.addf %tanh3A, %dot_general3A_107 : vector<1024x768xf32>
    %reduce_sum3A = arith.constant dense<0.000000e+00> : vector<1024xf32>
    %reduce_sum3A_109 = vector.multi_reduction <add>, %add3A_108, %reduce_sum3A [1] : vector<1024x768xf32> to vector<1024xf32>
    %broadcast_in_dim3A = vector.shape_cast %reduce_sum3A_109 : vector<1024xf32> to vector<1024x1xf32>
    %div3A = arith.constant 7.680000e+02 : f32
    %div3A_110 = vector.broadcast %div3A : f32 to vector<1024x1xf32>
    %div3A_111 = arith.divf %broadcast_in_dim3A, %div3A_110 : vector<1024x1xf32>
    %sub3A_112 = vector.broadcast %div3A_111 : vector<1024x1xf32> to vector<1024x768xf32>
    %sub3A_113 = arith.subf %add3A_108, %sub3A_112 : vector<1024x768xf32>
    %mul3A_114 = arith.mulf %sub3A_113, %sub3A_113 : vector<1024x768xf32>
    %reduce_sum3A_115 = arith.constant dense<0.000000e+00> : vector<1024xf32>
    %reduce_sum3A_116 = vector.multi_reduction <add>, %mul3A_114, %reduce_sum3A_115 [1] : vector<1024x768xf32> to vector<1024xf32>
    %broadcast_in_dim3A_117 = vector.shape_cast %reduce_sum3A_116 : vector<1024xf32> to vector<1024x1xf32>
    %div3A_118 = arith.constant 7.680000e+02 : f32
    %div3A_119 = vector.broadcast %div3A_118 : f32 to vector<1024x1xf32>
    %div3A_120 = arith.divf %broadcast_in_dim3A_117, %div3A_119 : vector<1024x1xf32>
    %add3A_121 = arith.constant 9.99999996E-13 : f32
    %add3A_122 = vector.broadcast %add3A_121 : f32 to vector<1024x1xf32>
    %add3A_123 = arith.addf %div3A_120, %add3A_122 : vector<1024x1xf32>
    %rsqrt3A = math.rsqrt %add3A_123 : vector<1024x1xf32>
    %mul3A_124 = vector.broadcast %rsqrt3A : vector<1024x1xf32> to vector<1024x768xf32>
    %mul3A_125 = arith.mulf %sub3A_113, %mul3A_124 : vector<1024x768xf32>
    %get3A_126 = arith.constant 0 : index
    %get3A_127 = arith.constant 0 : index
    %get3A_128 = vector.load %arg15[%get3A_126, %get3A_127] : memref<1x768xf32, #tpu.memory_space<vmem>>, vector<1x768xf32>
    %mul3A_129 = vector.broadcast %get3A_128 : vector<1x768xf32> to vector<1024x768xf32>
    %mul3A_130 = arith.mulf %mul3A_125, %mul3A_129 : vector<1024x768xf32>
    %get3A_131 = arith.constant 0 : index
    %get3A_132 = arith.constant 0 : index
    %get3A_133 = vector.load %arg16[%get3A_131, %get3A_132] : memref<1x768xf32, #tpu.memory_space<vmem>>, vector<1x768xf32>
    %add3A_134 = vector.broadcast %get3A_133 : vector<1x768xf32> to vector<1024x768xf32>
    %add3A_135 = arith.addf %mul3A_130, %add3A_134 : vector<1024x768xf32>
    %swap3A = arith.constant 0 : index
    %swap3A_136 = arith.constant 0 : index
    %swap3A_137 = vector.load %arg17[%swap3A, %swap3A_136] : memref<1024x768xf32, #tpu.memory_space<vmem>>, vector<1024x768xf32>
    tpu.vector_store %arg17[%swap3A, %swap3A_136], %add3A_135 {strides = array<i32>} : memref<1024x768xf32, #tpu.memory_space<vmem>>, vector<1024x768xf32>,
    return
  }
  func.func @transform_0(%arg0: i32) -> (i32, i32) {
    %c0_i32 = arith.constant 0 : i32
    %c0_i32_0 = arith.constant 0 : i32
    return %arg0, %c0_i32 : i32, i32
  }
  func.func @transform_1(%arg0: i32) -> (i32, i32, i32) {
    %c0_i32 = arith.constant 0 : i32
    %c0_i32_0 = arith.constant 0 : i32
    %c0_i32_1 = arith.constant 0 : i32
    return %arg0, %c0_i32, %c0_i32_0 : i32, i32, i32
  }
  func.func @transform_2(%arg0: i32) -> (i32, i32, i32) {
    %c0_i32 = arith.constant 0 : i32
    %c0_i32_0 = arith.constant 0 : i32
    %c0_i32_1 = arith.constant 0 : i32
    return %arg0, %c0_i32, %c0_i32_0 : i32, i32, i32
  }
  func.func @transform_3(%arg0: i32) -> (i32, i32, i32) {
    %c0_i32 = arith.constant 0 : i32
    %c0_i32_0 = arith.constant 0 : i32
    %c0_i32_1 = arith.constant 0 : i32
    return %arg0, %c0_i32, %c0_i32_0 : i32, i32, i32
  }
  func.func @transform_4(%arg0: i32) -> (i32, i32, i32) {
    %c0_i32 = arith.constant 0 : i32
    %c0_i32_0 = arith.constant 0 : i32
    %c0_i32_1 = arith.constant 0 : i32
    return %arg0, %c0_i32, %c0_i32_0 : i32, i32, i32
  }
  func.func @transform_5(%arg0: i32) -> (i32, i32, i32) {
    %c0_i32 = arith.constant 0 : i32
    %c0_i32_0 = arith.constant 0 : i32
    %c0_i32_1 = arith.constant 0 : i32
    return %arg0, %c0_i32, %c0_i32_0 : i32, i32, i32
  }
  func.func @transform_6(%arg0: i32) -> (i32, i32, i32) {
    %c0_i32 = arith.constant 0 : i32
    %c0_i32_0 = arith.constant 0 : i32
    %c0_i32_1 = arith.constant 0 : i32
    return %arg0, %c0_i32, %c0_i32_0 : i32, i32, i32
  }
  func.func @transform_7(%arg0: i32) -> (i32, i32) {
    %c0_i32 = arith.constant 0 : i32
    %c0_i32_0 = arith.constant 0 : i32
    %c0_i32_1 = arith.constant 0 : i32
    return %c0_i32, %c0_i32_0 : i32, i32
  }
  func.func @transform_8(%arg0: i32) -> (i32, i32) {
    %c0_i32 = arith.constant 0 : i32
    %c0_i32_0 = arith.constant 0 : i32
    %c0_i32_1 = arith.constant 0 : i32
    return %c0_i32, %c0_i32_0 : i32, i32
  }
  func.func @transform_9(%arg0: i32) -> (i32, i32) {
    %c0_i32 = arith.constant 0 : i32
    %c0_i32_0 = arith.constant 0 : i32
    %c0_i32_1 = arith.constant 0 : i32
    return %c0_i32, %c0_i32_0 : i32, i32
  }
  func.func @transform_10(%arg0: i32) -> (i32, i32) {
    %c0_i32 = arith.constant 0 : i32
    %c0_i32_0 = arith.constant 0 : i32
    %c0_i32_1 = arith.constant 0 : i32
    return %c0_i32, %c0_i32_0 : i32, i32
  }
  func.func @transform_11(%arg0: i32) -> (i32, i32) {
    %c0_i32 = arith.constant 0 : i32
    %c0_i32_0 = arith.constant 0 : i32
    %c0_i32_1 = arith.constant 0 : i32
    return %c0_i32, %c0_i32_0 : i32, i32
  }
  func.func @transform_12(%arg0: i32) -> (i32, i32) {
    %c0_i32 = arith.constant 0 : i32
    %c0_i32_0 = arith.constant 0 : i32
    %c0_i32_1 = arith.constant 0 : i32
    return %c0_i32, %c0_i32_0 : i32, i32
  }
  func.func @transform_13(%arg0: i32) -> (i32, i32) {
    %c0_i32 = arith.constant 0 : i32
    %c0_i32_0 = arith.constant 0 : i32
    %c0_i32_1 = arith.constant 0 : i32
    return %c0_i32, %c0_i32_0 : i32, i32
  }
  func.func @transform_14(%arg0: i32) -> (i32, i32) {
    %c0_i32 = arith.constant 0 : i32
    %c0_i32_0 = arith.constant 0 : i32
    %c0_i32_1 = arith.constant 0 : i32
    return %c0_i32, %c0_i32_0 : i32, i32
  }
  func.func @transform_15(%arg0: i32) -> (i32, i32) {
    %c0_i32 = arith.constant 0 : i32
    %c0_i32_0 = arith.constant 0 : i32
    %c0_i32_1 = arith.constant 0 : i32
    return %c0_i32, %c0_i32_0 : i32, i32
  }
  func.func @transform_16(%arg0: i32) -> (i32, i32) {
    %c0_i32 = arith.constant 0 : i32
    %c0_i32_0 = arith.constant 0 : i32
    return %arg0, %c0_i32 : i32, i32
  }
}

</mosaic_0001>

<sc_bundles>
// kernel: kernel.4.cloned.1.call-start
scs
__scs_entry_jumppad:
0x0: {  	(pc) =	sbr.rel $0x88, $3  }
0x1: {  	(tag) =	ssettag $0x0;
	lr =	simm.s32 $0x1  }
0x2: {  	[smem:$0x3F8F] =	sst lr;
	_ =	strace $0xD0000000  }
0x3: {  	_ = 	snop  }
0x4: {  	_ = 	snop  }
0x5: {  	_ = 	snop  }
0x6: {  	_ = 	snop  }
0x7: {  	_ = 	snop  }
__scs_overlays_trampoline_lowered:
0x8: {  	[smem:$0x3F9E] =	sst s0  }
0x9: {  	[smem:$0x3F9F] =	sst s1  }
0xa: {  	[smem:$0x3FA0] =	sst s2  }
0xb: {  	[smem:$0x3FA1] =	sst s3  }
0xc: {  	[smem:$0x3FA2] =	sst s4  }
0xd: {  	[smem:$0x3FA3] =	sst s5  }
0xe: {  	[smem:$0x3FA4] =	sst s6  }
0xf: {  	[smem:$0x3FA5] =	sst s7  }
0x10: {  	[smem:$0x3FA6] =	sst s8  }
0x11: {  	[smem:$0x3FA7] =	sst s9;
	s0 =	simm.s32 @!p0 $0x0  }
0x12: {  	s1 =	sld [smem:$0x3F8D];
	s0 =	simm.s32 @p0 $0x1  }
0x13: {  	[smem:$0x3FA8] =	sst s0;
	s0 =	simm.s32 @!p1 $0x0  }
0x14: {  	s2 =	sld [smem:$0x3F8C];
	s0 =	simm.s32 @p1 $0x1  }
0x15: {  	[smem:$0x3FA9] =	sst s0;
	s0 =	simm.s32 @!p2 $0x0  }
0x16: {  	s3 =	sld [smem:$0x3FDB];
	s0 =	simm.s32 @p2 $0x1  }
0x17: {  	s4 =	simm.s32 $0x1BF5;
	[smem:$0x3FAB] =	sst s0  }
0x18: {  	s0 =	sld [smem:$0x3F8E];
	_ =	swait.ge [sflag:s4], $0x0  }
0x19: {  	s7 =	sld [smem:$0x3F8F]  }
0x1a: {  	s8 =	sadd.s32 $0xFFFFE003, lr  }
0x1b: {  	s9 =	sadd.s32 $0xFFFFFEF7, lr;
	s5 =	simm.s32 $0xFFFFFFFF;
	p2 =	slt.u32 s8, $0xFFFFF086  }
0x1c: {  	p1 =	slt.u32 s9, $0xF7A;
	s5 =	simm.s32 @!p2 $0x0  }
0x1d: {  	s5 =	simm.s32 @p1 $0x1;
	p0 =	seq.s32 s7, s2  }
0x1e: {  	s7 =	smul.u32 @!p0 $0xF7A, s2;
	p2 =	seq.s32 @!p0 s5, $0x0  }
0x1f: {  	s9 =	smul.u32 $0xF7A, s1;
	s8 =	simm.s32 @!p0 $0x1BF5;
	p2 =	por !p2, p0  }
0x20: {  	[sflag:s8] =	ssyncset.s32 @!p0 $0xFFFFF086;
	s6 =	sadd.s32 @!p0 s3, s7;
	s7 =	simm.s32 @!p0 $0x108  }
0x21: {  	s3 =	sadd.s32 s3, s9;
	s6 =	sadd.s32 @!p0 $0x88, s6;
	s7 =	simm.s32 @p2 $0x1082  }
0x22: {  	[simem:s7], [sflag:s8] =	dma.local @!p0 [hbm:s6], $0xF7A  }
0x23: {  	s9 =	sor.u32 $0xD0000000, s2;
	s6 =	simm.s32 $0x108;
	_ =	swait.ge @!p0 [sflag:s8], $0x0  }
0x24: {  	s3 =	sadd.s32 $0x88, s3;
	s6 =	simm.s32 @!p1 $0x1082;
	[sflag:s4] =	ssyncset.s32 $0xFFFFF086  }
0x25: {  	[simem:s6], [sflag:s4] =	dma.local [hbm:s3], $0xF7A  }
0x26: {  	[smem:$0x3F8F] =	sst s1;
	(tag) =	ssettag s2;
	_ =	strace s9  }
0x27: {  	s1 =	sld [smem:$0x3F9F]  }
0x28: {  	s2 =	sld [smem:$0x3FA0]  }
0x29: {  	s4 =	sld [smem:$0x3FA2]  }
0x2a: {  	p0 =	seq.s32 s5, $0x0;
	s5 =	sld [smem:$0x3FA3]  }
0x2b: {  	s6 =	sld [smem:$0x3FA4]  }
0x2c: {  	s7 =	sld [smem:$0x3FA5]  }
0x2d: {  	s3 =	simm.s32 $0x108;
	s8 =	sld [smem:$0x3FA6]  }
0x2e: {  	s3 =	simm.s32 @!p0 $0x1082;
	s9 =	sld [smem:$0x3FA7]  }
0x2f: {  	lr =	sadd.s32 s0, s3;
	s0 =	sld [smem:$0x3F9E]  }
0x30: {  	s3 =	sld [smem:$0x3FA1]  }
0x31: {  	[smem:$0x3FAA] =	sst s10  }
0x32: {  	s10 =	sld [smem:$0x3FA8];
	_ =	sdelay $0x3  }
0x33: {  	p0 =	seq.s32 s10, $0x1;
	s10 =	sld [smem:$0x3FAA];
	_ =	sdelay $0x3  }
0x34: {  	[smem:$0x3FAA] =	sst s10  }
0x35: {  	s10 =	sld [smem:$0x3FA9];
	_ =	sdelay $0x3  }
0x36: {  	p1 =	seq.s32 s10, $0x1;
	s10 =	sld [smem:$0x3FAA];
	_ =	sdelay $0x3  }
0x37: {  	[smem:$0x3FAA] =	sst s10  }
0x38: {  	s10 =	sld [smem:$0x3FAB]  }
0x39: {  	_ = 	snop;
	(pc) =	sbr.ind lr, $3  }
0x3a: {  	_ = 	snop  }
0x3b: {  	_ = 	snop  }
0x3c: {  	p2 =	seq.s32 s10, $0x1;
	s10 =	sld [smem:$0x3FAA]  }
0x3d: {  	_ =	shalt  }
0x3e: {  	_ =	shalt  }
0x3f: {  	_ =	shalt  }
0x40: {  	_ =	shalt  }
0x41: {  	_ =	shalt  }
0x42: {  	_ =	shalt  }
0x43: {  	_ =	shalt  }
0x44: {  	_ =	shalt  }
0x45: {  	_ =	shalt  }
0x46: {  	_ =	shalt  }
0x47: {  	_ =	shalt  }
0x48: {  	_ =	shalt  }
0x49: {  	_ =	shalt  }
0x4a: {  	_ =	shalt  }
0x4b: {  	_ =	shalt  }
0x4c: {  	_ =	shalt  }
0x4d: {  	_ =	shalt  }
0x4e: {  	_ =	shalt  }
0x4f: {  	_ =	shalt  }
0x50: {  	_ =	shalt  }
0x51: {  	_ =	shalt  }
0x52: {  	_ =	shalt  }
0x53: {  	_ =	shalt  }
0x54: {  	_ =	shalt  }
0x55: {  	_ =	shalt  }
0x56: {  	_ =	shalt  }
0x57: {  	_ =	shalt  }
0x58: {  	_ =	shalt  }
0x59: {  	_ =	shalt  }
0x5a: {  	_ =	shalt  }
0x5b: {  	_ =	shalt  }
0x5c: {  	_ =	shalt  }
0x5d: {  	_ =	shalt  }
0x5e: {  	_ =	shalt  }
0x5f: {  	_ =	shalt  }
0x60: {  	_ =	shalt  }
0x61: {  	_ =	shalt  }
0x62: {  	_ =	shalt  }
0x63: {  	_ =	shalt  }
0x64: {  	_ =	shalt  }
0x65: {  	_ =	shalt  }
0x66: {  	_ =	shalt  }
0x67: {  	_ =	shalt  }
0x68: {  	_ =	shalt  }
0x69: {  	_ =	shalt  }
0x6a: {  	_ =	shalt  }
0x6b: {  	_ =	shalt  }
0x6c: {  	_ =	shalt  }
0x6d: {  	_ =	shalt  }
0x6e: {  	_ =	shalt  }
0x6f: {  	_ =	shalt  }
0x70: {  	_ =	shalt  }
0x71: {  	_ =	shalt  }
0x72: {  	_ =	shalt  }
0x73: {  	_ =	shalt  }
0x74: {  	_ =	shalt  }
0x75: {  	_ =	shalt  }
0x76: {  	_ =	shalt  }
0x77: {  	_ =	shalt  }
0x78: {  	_ =	shalt  }
0x79: {  	_ =	shalt  }
0x7a: {  	_ =	shalt  }
0x7b: {  	_ =	shalt  }
0x7c: {  	_ =	shalt  }
0x7d: {  	_ =	shalt  }
0x7e: {  	_ =	shalt  }
0x7f: {  	_ =	shalt  }
0x80: {  	_ =	shalt  }
0x81: {  	_ =	shalt  }
0x82: {  	_ =	shalt  }
0x83: {  	_ =	shalt  }
0x84: {  	_ =	shalt  }
0x85: {  	_ =	shalt  }
0x86: {  	_ =	shalt  }
0x87: {  	_ =	shalt  }
.Lfunc_end0:
.L_simem_size_0:
called_computation_lowered:
.L_overlay_start_0:
0x88: {  	s2 =	sld [smem:$0x3FD9]  }
0x89: {  	s3 =	sld [smem:$0x3FFE];
	_ =	sdelay $0x1  }
0x8a: {  	s1 =	srdreg.scid  }
0x8b: {  	s0 =	sand.u32 $0x1, s1  }
0x8c: {  	s17 =	sshll.u32 s0, $0xA;
	s2 =	sadd.s32 s3, s2  }
0x8d: {  	s2 =	sadd.s32 s2, s17  }
0x8e: {  	[smem:$0x3FB6] =	sst s2  }
0x8f: {  	_ = 	snop  }
0x90: {  	s2 =	sld [smem:$0x3FC9]  }
0x91: {  	s18 =	sld [smem:$0x3FC3];
	(tm) =	ssettm $0x1  }
0x92: {  	s4 =	sld [smem:$0x3FFB];
	_ =	sdelay $0x3  }
0x93: {  	_ =	strace s4  }
0x94: {  	s4 =	sld [smem:$0x3FFC];
	_ =	sdelay $0x3  }
0x95: {  	_ =	strace s4  }
0x96: {  	s4 =	sld [smem:$0x3FFD];
	_ =	sdelay $0x3  }
0x97: {  	_ =	strace s4  }
0x98: {  	_ =	strace $0x8FFFFFFF  }
0x99: {  	s19 =	sld [smem:$0x3FDB];
	_ =	sdelay $0x1  }
0x9a: {  	s5 =	simm.s32 $_scs_section_size  }
0x9b: {  	s6 =	simm.s32 $_size__tile_overlayer_lowered;
	s7 =	simm.s32 $_tile_overlayer_lowered  }
0x9c: {  	s22 =	simm.s32 $0x1BFF;
	s21 =	sshll.u32 s7, $0x1;
	s4 =	sadd.s32 s5, s19  }
0x9d: {  	s8 =	simm.s32 $0x0;
	s20 =	sshll.u32 s6, $0x1;
	s6 =	sadd.s32 s21, s4  }
0x9e: {  	[timem:s8], [sflag:s22] =	dma.local [hbm:s6], s20  }
0x9f: {  	_ =	swait.ge [sflag:s22], s20  }
0xa0: {  	s5 =	ssub.s32 $0x0, s20;
	[sflag:s22] =	ssyncset.done $0x0  }
0xa1: {  	[sflag:s22] =	ssyncadd.s32 s5;
	_ =	sdelay $0x1  }
0xa2: {  	s23 =	simm.s32 $0x1B8B  }
0xa3: {  	_ =	swait.ge [sflag:s23], $0x1  }
0xa4: {  	[sflag:s23] =	ssyncset.done $0x0  }
0xa5: {  	s25 =	simm.s32 $0x1B8E;
	s24 =	sld [smem:$0x3FFE];
	[sflag:s23] =	ssyncadd.s32 $0xFFFFFFFF  }
0xa6: {  	s26 =	simm.s32 $execute0_lowered;
	[smem:$0x3FD2] =	sst s25  }
0xa7: {  	s6 =	sshll.u32 s26, $0x1;
	_ =	strace $0x80000046;
	[dreg:$0x1] =	wrdreg $0xFFFFFFFF  }
0xa8: {  	s28 =	simm.s32 $_size_execute0_lowered;
	s4 =	sadd.s32 s4, s6;
	[dreg:$0x0] =	wrdreg $0x0  }
0xa9: {  	s6 =	sshll.u32 s28, $0x1;
	[dreg:$0x2] =	wrdreg s4  }
0xaa: {  	[dreg:$0x3] =	wrdreg s6  }
0xab: {  	[dreg:$0x4] =	wrdreg $0xC0  }
0xac: {  	_ =	task [dreg:s8], $0x5FFFF  }
0xad: {  	[dreg:$0x1] =	wrdreg $0xFFFFFFFF  }
0xae: {  	[dreg:$0x0] =	wrdreg $0x60  }
0xaf: {  	[dreg:$0x2] =	wrdreg s18  }
0xb0: {  	[dreg:$0x3] =	wrdreg s2  }
0xb1: {  	[dreg:$0x4] =	wrdreg s24  }
0xb2: {  	[dreg:$0x5] =	wrdreg $0x9  }
0xb3: {  	_ =	task.clear_ibuf [dreg:s8], $0x6FFFF;
	_ =	strace $0x90000046  }
0xb4: {  	s29 =	simm.s32 $0x9;
	_ =	strace $0x80000048  }
0xb5: {  	_ =	swait.ge [sflag:s29], $0x1  }
0xb6: {  	[sflag:s29] =	ssyncadd.s32 $0xFFFFFFFF  }
0xb7: {  	_ =	strace $0x90000048  }
0xb8: {  	_ =	sfence  }
0xb9: {  	s30 =	sld [smem:$0x0];
	_ =	sdelay $0x2  }
0xba: {  	s31 =	sshll.u32 s1, $0xD;
	s1 =	sshrl.u32 s1, $0x2  }
0xbb: {  	s3 =	sand.u32 $0x4000, s31;
	s1 =	sadd.s32 s1, s30  }
0xbc: {  	s0 =	sor.u32 s3, s0;
	s1 =	sshll.u32 s1, $0x11  }
0xbd: {  	s0 =	sor.u32 s1, s0  }
0xbe: {  	s0 =	sadd.s32 $0x8F2B, s0  }
0xbf: {  	[sflag:s0] =	ssyncadd.remote.s32 $0x1  }
0xc0: {  	_ =	sfence.sel $0xFFFF  }
0xc1: {  	[dreg:$0x0] =	wrdreg $0xFFFFFFFF;
	(pc) =	sbr.abs _section_cstart, $3  }
0xc2: {  	[dreg:$0x1] =	wrdreg $0xFFFFFFFF  }
0xc3: {  	_ =	task.clear_ibuf [dreg:s8], $0x2FFFF;
	_ =	strace $0x9FFFFFFF  }
0xc4: {  	(tm) =	ssettm $0x7FFFFFFF  }
0xc5: {  	_ =	shalt  }
tec
execute0_lowered:
.L_overlay_start_1:
0x0: {  	(tag) =	ssettag $0x1  }
0x1: {  	s1 =	rddreg [dreg:$0x0]  }
0x2: {  	s0 =	rddreg [dreg:$0x1]  }
0x3: {  	s2 =	rddreg [dreg:$0x2];
	s3 =	simm.s32 $0x0;
	s4 =	srdreg.scid  }
0x4: {  	s6 =	stileid.u32;
	s25 =	simm.s32 $0x80;
	s26 =	simm.s32 $0x200  }
0x5: {  	s28 =	simm.s32 $0x3100;
	s29 =	simm.s32 $0x3900;
	s30 =	simm.s32 $0x4100  }
0x6: {  	s31 =	simm.s32 $0x4900;
	[smem:$0x7FF] =	sst s3;
	s4 =	sand.u32 $0x1, s4  }
0x7: {  	s5 =	sshll.u32 s6, $0x1;
	s2 =	sadd.s32 $0x2200, s2;
	s6 =	sshll.u32 s6, $0x2  }
0x8: {  	s5 =	sor.u32 s4, s5;
	_ =	strace $0x80000047;
	[dreg:$0xc] =	wrdreg s25  }
0x9: {  	s6 =	sand.u32 $0x30, s6;
	s4 =	ssub.s32 $0x2, s4;
	[dreg:$0xd] =	wrdreg s26  }
0xa: {  	s25 =	simm.s32 $0x2100;
	s26 =	simm.s32 $0x2900;
	s8 =	smul.u32 $0x6000, s5  }
0xb: {  	s7 =	sshll.u32 s5, $0x7;
	s0 =	sadd.s32 s0, s6;
	s5 =	smul.u32 $0x30000, s5  }
0xc: {  	s22 =	sshrl.u32 s4, $0x1;
	s6 =	sadd.s32 $0x200, s1;
	s7 =	sand.u32 $0x380, s7  }
0xd: {  	s24 =	ssub.s32 s4, s22;
	s22 =	simm.s32 $0x8100;
	s0 =	sadd.s32 s7, s0  }
0xe: {  	s4 =	simm.s32 $0x12100;
	s15 =	sadd.s32 s2, s8;
	[dreg:$0x4] =	wrdreg s0  }
0xf: {  	s5 =	sshrl.u32 s5, $0x3;
	s16 =	sadd.s32 $0xC00, s15;
	[dreg:$0xe] =	wrdreg s15  }
0x10: {  	s17 =	sadd.s32 $0x1800, s15;
	s2 =	sadd.s32 s2, s5;
	[dreg:$0x5] =	wrdreg s16  }
0x11: {  	s10 =	smax.u32 s24, $0x1;
	[dreg:$0x6] =	wrdreg s17;
	s18 =	sadd.s32 $0x2400, s2  }
0x12: {  	s24 =	simm.s32 $0x1900;
	s19 =	sadd.s32 $0x3000, s2;
	[dreg:$0x7] =	wrdreg s18  }
0x13: {  	s5 =	sadd.s32 $0x100, s1;
	s20 =	sadd.s32 $0x3C00, s2;
	[dreg:$0x8] =	wrdreg s19  }
0x14: {  	v2 =	vlaneseq.u32;
	s21 =	sadd.s32 $0x4800, s2;
	s23 =	sadd.s32 $0x5400, s2;
	[dreg:$0x9] =	wrdreg s20  }
0x15: {  	vm0 =	vmmov $0xffff;
	v1 =	vshrl.u32 v2, $0x3;
	s16 =	simm.s32 $0xB900;
	s17 =	simm.s32 $0xC100;
	[dreg:$0xa] =	wrdreg s21  }
0x16: {  	v0 =	vand.u32 $0x7, v2;
	v2 =	vor.u32 $0x8, v2;
	v1 =	vmul.u32 $0x8, v1;
	s2 =	simm.s32 $0x5;
	[dreg:$0xb] =	wrdreg s23;
	s21 =	simm.s32 $0x9900  }
.LBB2_1:
0x17: {  	s19 =	rddreg [dreg:$0x4]  }
0x18: {  	s20 =	rddreg [dreg:$0xc]  }
0x19: {  	s23 =	rddreg [dreg:$0xd];
	s0 =	simm.s32 $0x9  }
0x1a: {  	[tilespmem:s3], [sflag:$0x9] =	stream.strided.gather [hbm4b:s19+s20], $0x100, s23, s20, $0x38;
	[tilespmem:$0x18100] =	vst v63  }
0x1b: {  	_ =	swait.ge [sflag:s0], $0x100  }
0x1c: {  	[sflag:s0] =	ssyncset.done $0x0  }
0x1d: {  	[sflag:s0] =	ssyncadd.s32 $0xFFFFFF00  }
0x1e: {  	v3 =	vld [tilespmem:$0x0];
	_ =	sdelay $0x4  }
0x1f: {  	v4 =	vshrl.u32 v3, $0x3  }
0x20: {  	v4 =	vmul.u32 $0x30, v4  }
0x21: {  	v3 =	vand.u32 $0x7, v3  }
0x22: {  	v3 =	vor.u32 v3, v4  }
0x23: {  	v4 =	vperm.xlane v3, v0;
	_ =	sdelay $0x1  }
0x24: {  	v4 =	vadd.s32 v1, v4;
	_ =	sdelay $0x3  }
0x25: {  	s13 =	simm.s32 $0x100;
	v3 =	vperm.xlane v3, v2  }
0x26: {  	[tilespmem:s13], [sflag:$0x1] =	stream.indirect_vreg.gather [hbm4b:s1+s3], $0x80, v4, vm0, $0xb8;
	[tilespmem:$0x18100] =	vst v63  }
0x27: {  	s20 =	simm.s32 $0x900;
	v3 =	vadd.s32 v1, v3  }
0x28: {  	[tilespmem:s20], [sflag:$0x1] =	stream.indirect_vreg.gather [hbm4b:s5+s3], $0x80, v4, vm0, $0xb8;
	[tilespmem:$0x18100] =	vst v63  }
0x29: {  	s23 =	simm.s32 $0x1100  }
0x2a: {  	[tilespmem:s23], [sflag:$0x1] =	stream.indirect_vreg.gather [hbm4b:s6+s3], $0x80, v4, vm0, $0xb8;
	[tilespmem:$0x18100] =	vst v63  }
0x2b: {  	_ = 	snop  }
0x2c: {  	[tilespmem:s24], [sflag:$0x1] =	stream.indirect_vreg.gather [hbm4b:s1+s3], $0x80, v3, vm0, $0xb8;
	[tilespmem:$0x18100] =	vst v63  }
0x2d: {  	_ = 	snop  }
0x2e: {  	[tilespmem:s25], [sflag:$0x1] =	stream.indirect_vreg.gather [hbm4b:s5+s3], $0x80, v3, vm0, $0xb8;
	[tilespmem:$0x18100] =	vst v63  }
0x2f: {  	_ = 	snop  }
0x30: {  	[tilespmem:s26], [sflag:$0x1] =	stream.indirect_vreg.gather [hbm4b:s6+s3], $0x80, v3, vm0, $0xb8;
	[tilespmem:$0x18100] =	vst v63  }
0x31: {  	v3 =	vld [tilespmem:$0x10];
	_ =	sdelay $0x4  }
0x32: {  	v49 =	vshrl.u32 v3, $0x3  }
0x33: {  	v4 =	vmul.u32 $0x30, v49  }
0x34: {  	v3 =	vand.u32 $0x7, v3  }
0x35: {  	v3 =	vor.u32 v3, v4  }
0x36: {  	v4 =	vperm.xlane v3, v0;
	_ =	sdelay $0x1  }
0x37: {  	v4 =	vadd.s32 v1, v4;
	_ =	sdelay $0x3  }
0x38: {  	v3 =	vperm.xlane v3, v2  }
0x39: {  	[tilespmem:s28], [sflag:$0x1] =	stream.indirect_vreg.gather [hbm4b:s1+s3], $0x80, v4, vm0, $0xb8;
	[tilespmem:$0x18100] =	vst v63  }
0x3a: {  	v3 =	vadd.s32 v1, v3  }
0x3b: {  	[tilespmem:s29], [sflag:$0x1] =	stream.indirect_vreg.gather [hbm4b:s5+s3], $0x80, v4, vm0, $0xb8;
	[tilespmem:$0x18100] =	vst v63  }
0x3c: {  	_ = 	snop  }
0x3d: {  	[tilespmem:s30], [sflag:$0x1] =	stream.indirect_vreg.gather [hbm4b:s6+s3], $0x80, v4, vm0, $0xb8;
	[tilespmem:$0x18100] =	vst v63  }
0x3e: {  	_ = 	snop  }
0x3f: {  	[tilespmem:s31], [sflag:$0x1] =	stream.indirect_vreg.gather [hbm4b:s1+s3], $0x80, v3, vm0, $0xb8;
	[tilespmem:$0x18100] =	vst v63  }
0x40: {  	s9 =	simm.s32 $0x5100  }
0x41: {  	[tilespmem:s9], [sflag:$0x1] =	stream.indirect_vreg.gather [hbm4b:s5+s3], $0x80, v3, vm0, $0xb8;
	[tilespmem:$0x18100] =	vst v63  }
0x42: {  	s8 =	simm.s32 $0x5900  }
0x43: {  	[tilespmem:s8], [sflag:$0x1] =	stream.indirect_vreg.gather [hbm4b:s6+s3], $0x80, v3, vm0, $0xb8;
	[tilespmem:$0x18100] =	vst v63  }
0x44: {  	v3 =	vld [tilespmem:$0x20];
	_ =	sdelay $0x4  }
0x45: {  	v50 =	vshrl.u32 v3, $0x3  }
0x46: {  	v4 =	vmul.u32 $0x30, v50  }
0x47: {  	v3 =	vand.u32 $0x7, v3  }
0x48: {  	v3 =	vor.u32 v3, v4  }
0x49: {  	v4 =	vperm.xlane v3, v0;
	_ =	sdelay $0x1  }
0x4a: {  	v4 =	vadd.s32 v1, v4;
	_ =	sdelay $0x3  }
0x4b: {  	s14 =	simm.s32 $0x6100;
	v3 =	vperm.xlane v3, v2  }
0x4c: {  	[tilespmem:s14], [sflag:$0x2] =	stream.indirect_vreg.gather [hbm4b:s1+s3], $0x80, v4, vm0, $0xb8;
	[tilespmem:$0x18100] =	vst v63  }
0x4d: {  	s18 =	simm.s32 $0x6900;
	v3 =	vadd.s32 v1, v3  }
0x4e: {  	[tilespmem:s18], [sflag:$0x2] =	stream.indirect_vreg.gather [hbm4b:s5+s3], $0x80, v4, vm0, $0xb8;
	[tilespmem:$0x18100] =	vst v63  }
0x4f: {  	s15 =	simm.s32 $0x7100  }
0x50: {  	[tilespmem:s15], [sflag:$0x2] =	stream.indirect_vreg.gather [hbm4b:s6+s3], $0x80, v4, vm0, $0xb8;
	[tilespmem:$0x18100] =	vst v63  }
0x51: {  	s19 =	simm.s32 $0x7900  }
0x52: {  	[tilespmem:s19], [sflag:$0x2] =	stream.indirect_vreg.gather [hbm4b:s1+s3], $0x80, v3, vm0, $0xb8;
	[tilespmem:$0x18100] =	vst v63  }
0x53: {  	_ = 	snop  }
0x54: {  	[tilespmem:s22], [sflag:$0x2] =	stream.indirect_vreg.gather [hbm4b:s5+s3], $0x80, v3, vm0, $0xb8;
	[tilespmem:$0x18100] =	vst v63  }
0x55: {  	s11 =	simm.s32 $0x8900  }
0x56: {  	[tilespmem:s11], [sflag:$0x2] =	stream.indirect_vreg.gather [hbm4b:s6+s3], $0x80, v3, vm0, $0xb8;
	[tilespmem:$0x18100] =	vst v63  }
0x57: {  	v3 =	vld [tilespmem:$0x30];
	_ =	sdelay $0x4  }
0x58: {  	v51 =	vshrl.u32 v3, $0x3  }
0x59: {  	v4 =	vmul.u32 $0x30, v51  }
0x5a: {  	v3 =	vand.u32 $0x7, v3  }
0x5b: {  	v3 =	vor.u32 v3, v4  }
0x5c: {  	v4 =	vperm.xlane v3, v0;
	_ =	sdelay $0x1  }
0x5d: {  	v4 =	vadd.s32 v1, v4;
	_ =	sdelay $0x3  }
0x5e: {  	s12 =	simm.s32 $0x9100;
	v3 =	vperm.xlane v3, v2  }
0x5f: {  	[tilespmem:s12], [sflag:$0x2] =	stream.indirect_vreg.gather [hbm4b:s1+s3], $0x80, v4, vm0, $0xb8;
	[tilespmem:$0x18100] =	vst v63  }
0x60: {  	v3 =	vadd.s32 v1, v3  }
0x61: {  	[tilespmem:s21], [sflag:$0x2] =	stream.indirect_vreg.gather [hbm4b:s5+s3], $0x80, v4, vm0, $0xb8;
	[tilespmem:$0x18100] =	vst v63  }
0x62: {  	s13 =	simm.s32 $0xA100  }
0x63: {  	[tilespmem:s13], [sflag:$0x2] =	stream.indirect_vreg.gather [hbm4b:s6+s3], $0x80, v4, vm0, $0xb8;
	[tilespmem:$0x18100] =	vst v63  }
0x64: {  	s14 =	simm.s32 $0xA900  }
0x65: {  	[tilespmem:s14], [sflag:$0x2] =	stream.indirect_vreg.gather [hbm4b:s1+s3], $0x80, v3, vm0, $0xb8;
	[tilespmem:$0x18100] =	vst v63  }
0x66: {  	s15 =	simm.s32 $0xB100  }
0x67: {  	[tilespmem:s15], [sflag:$0x2] =	stream.indirect_vreg.gather [hbm4b:s5+s3], $0x80, v3, vm0, $0xb8;
	[tilespmem:$0x18100] =	vst v63  }
0x68: {  	_ = 	snop  }
0x69: {  	[tilespmem:s16], [sflag:$0x2] =	stream.indirect_vreg.gather [hbm4b:s6+s3], $0x80, v3, vm0, $0xb8;
	[tilespmem:$0x18100] =	vst v63  }
0x6a: {  	v3 =	vld [tilespmem:$0x40];
	_ =	sdelay $0x4  }
0x6b: {  	v52 =	vshrl.u32 v3, $0x3  }
0x6c: {  	v4 =	vmul.u32 $0x30, v52  }
0x6d: {  	v3 =	vand.u32 $0x7, v3  }
0x6e: {  	v3 =	vor.u32 v3, v4  }
0x6f: {  	v4 =	vperm.xlane v3, v0;
	_ =	sdelay $0x1  }
0x70: {  	v4 =	vadd.s32 v1, v4;
	_ =	sdelay $0x3  }
0x71: {  	v3 =	vperm.xlane v3, v2  }
0x72: {  	[tilespmem:s17], [sflag:$0x3] =	stream.indirect_vreg.gather [hbm4b:s1+s3], $0x80, v4, vm0, $0xb8;
	[tilespmem:$0x18100] =	vst v63  }
0x73: {  	s7 =	simm.s32 $0xC900;
	v3 =	vadd.s32 v1, v3  }
0x74: {  	[tilespmem:s7], [sflag:$0x3] =	stream.indirect_vreg.gather [hbm4b:s5+s3], $0x80, v4, vm0, $0xb8;
	[tilespmem:$0x18100] =	vst v63  }
0x75: {  	s19 =	simm.s32 $0xD100  }
0x76: {  	[tilespmem:s19], [sflag:$0x3] =	stream.indirect_vreg.gather [hbm4b:s6+s3], $0x80, v4, vm0, $0xb8;
	[tilespmem:$0x18100] =	vst v63  }
0x77: {  	s7 =	simm.s32 $0xD900  }
0x78: {  	[tilespmem:s7], [sflag:$0x3] =	stream.indirect_vreg.gather [hbm4b:s1+s3], $0x80, v3, vm0, $0xb8;
	[tilespmem:$0x18100] =	vst v63  }
0x79: {  	s19 =	simm.s32 $0xE100  }
0x7a: {  	[tilespmem:s19], [sflag:$0x3] =	stream.indirect_vreg.gather [hbm4b:s5+s3], $0x80, v3, vm0, $0xb8;
	[tilespmem:$0x18100] =	vst v63  }
0x7b: {  	s7 =	simm.s32 $0xE900  }
0x7c: {  	[tilespmem:s7], [sflag:$0x3] =	stream.indirect_vreg.gather [hbm4b:s6+s3], $0x80, v3, vm0, $0xb8;
	[tilespmem:$0x18100] =	vst v63  }
0x7d: {  	v3 =	vld [tilespmem:$0x50];
	_ =	sdelay $0x4  }
0x7e: {  	v53 =	vshrl.u32 v3, $0x3  }
0x7f: {  	v4 =	vmul.u32 $0x30, v53  }
0x80: {  	v3 =	vand.u32 $0x7, v3  }
0x81: {  	v3 =	vor.u32 v3, v4  }
0x82: {  	v4 =	vperm.xlane v3, v0;
	_ =	sdelay $0x1  }
0x83: {  	v4 =	vadd.s32 v1, v4;
	_ =	sdelay $0x3  }
0x84: {  	s19 =	simm.s32 $0xF100;
	v3 =	vperm.xlane v3, v2  }
0x85: {  	[tilespmem:s19], [sflag:$0x3] =	stream.indirect_vreg.gather [hbm4b:s1+s3], $0x80, v4, vm0, $0xb8;
	[tilespmem:$0x18100] =	vst v63  }
0x86: {  	s7 =	simm.s32 $0xF900;
	v3 =	vadd.s32 v1, v3  }
0x87: {  	[tilespmem:s7], [sflag:$0x3] =	stream.indirect_vreg.gather [hbm4b:s5+s3], $0x80, v4, vm0, $0xb8;
	[tilespmem:$0x18100] =	vst v63  }
0x88: {  	s19 =	simm.s32 $0x10100  }
0x89: {  	[tilespmem:s19], [sflag:$0x3] =	stream.indirect_vreg.gather [hbm4b:s6+s3], $0x80, v4, vm0, $0xb8;
	[tilespmem:$0x18100] =	vst v63  }
0x8a: {  	s7 =	simm.s32 $0x10900  }
0x8b: {  	[tilespmem:s7], [sflag:$0x3] =	stream.indirect_vreg.gather [hbm4b:s1+s3], $0x80, v3, vm0, $0xb8;
	[tilespmem:$0x18100] =	vst v63  }
0x8c: {  	s19 =	simm.s32 $0x11100  }
0x8d: {  	[tilespmem:s19], [sflag:$0x3] =	stream.indirect_vreg.gather [hbm4b:s5+s3], $0x80, v3, vm0, $0xb8;
	[tilespmem:$0x18100] =	vst v63  }
0x8e: {  	s7 =	simm.s32 $0x11900  }
0x8f: {  	[tilespmem:s7], [sflag:$0x3] =	stream.indirect_vreg.gather [hbm4b:s6+s3], $0x80, v3, vm0, $0xb8;
	[tilespmem:$0x18100] =	vst v63  }
0x90: {  	v3 =	vld [tilespmem:$0x60];
	_ =	sdelay $0x4  }
0x91: {  	v54 =	vshrl.u32 v3, $0x3  }
0x92: {  	v4 =	vmul.u32 $0x30, v54  }
0x93: {  	v3 =	vand.u32 $0x7, v3  }
0x94: {  	v3 =	vor.u32 v3, v4  }
0x95: {  	v4 =	vperm.xlane v3, v0;
	_ =	sdelay $0x1  }
0x96: {  	v4 =	vadd.s32 v1, v4;
	_ =	sdelay $0x3  }
0x97: {  	v3 =	vperm.xlane v3, v2  }
0x98: {  	[tilespmem:s4], [sflag:$0x4] =	stream.indirect_vreg.gather [hbm4b:s1+s3], $0x80, v4, vm0, $0xb8;
	[tilespmem:$0x18100] =	vst v63  }
0x99: {  	s19 =	simm.s32 $0x12900;
	v3 =	vadd.s32 v1, v3  }
0x9a: {  	[tilespmem:s19], [sflag:$0x4] =	stream.indirect_vreg.gather [hbm4b:s5+s3], $0x80, v4, vm0, $0xb8;
	[tilespmem:$0x18100] =	vst v63  }
0x9b: {  	s7 =	simm.s32 $0x13100  }
0x9c: {  	[tilespmem:s7], [sflag:$0x4] =	stream.indirect_vreg.gather [hbm4b:s6+s3], $0x80, v4, vm0, $0xb8;
	[tilespmem:$0x18100] =	vst v63  }
0x9d: {  	s19 =	simm.s32 $0x13900  }
0x9e: {  	[tilespmem:s19], [sflag:$0x4] =	stream.indirect_vreg.gather [hbm4b:s1+s3], $0x80, v3, vm0, $0xb8;
	[tilespmem:$0x18100] =	vst v63  }
0x9f: {  	s7 =	simm.s32 $0x14100  }
0xa0: {  	[tilespmem:s7], [sflag:$0x4] =	stream.indirect_vreg.gather [hbm4b:s5+s3], $0x80, v3, vm0, $0xb8;
	[tilespmem:$0x18100] =	vst v63  }
0xa1: {  	s19 =	simm.s32 $0x14900  }
0xa2: {  	[tilespmem:s19], [sflag:$0x4] =	stream.indirect_vreg.gather [hbm4b:s6+s3], $0x80, v3, vm0, $0xb8;
	[tilespmem:$0x18100] =	vst v63  }
0xa3: {  	v3 =	vld [tilespmem:$0x70];
	_ =	sdelay $0x4  }
0xa4: {  	v55 =	vshrl.u32 v3, $0x3  }
0xa5: {  	v4 =	vmul.u32 $0x30, v55  }
0xa6: {  	v3 =	vand.u32 $0x7, v3  }
0xa7: {  	v3 =	vor.u32 v3, v4  }
0xa8: {  	v4 =	vperm.xlane v3, v0;
	_ =	sdelay $0x1  }
0xa9: {  	v4 =	vadd.s32 v1, v4;
	_ =	sdelay $0x3  }
0xaa: {  	s7 =	simm.s32 $0x15100;
	v3 =	vperm.xlane v3, v2  }
0xab: {  	[tilespmem:s7], [sflag:$0x4] =	stream.indirect_vreg.gather [hbm4b:s1+s3], $0x80, v4, vm0, $0xb8;
	[tilespmem:$0x18100] =	vst v63  }
0xac: {  	s19 =	simm.s32 $0x15900;
	v3 =	vadd.s32 v1, v3  }
0xad: {  	[tilespmem:s19], [sflag:$0x4] =	stream.indirect_vreg.gather [hbm4b:s5+s3], $0x80, v4, vm0, $0xb8;
	[tilespmem:$0x18100] =	vst v63  }
0xae: {  	s7 =	simm.s32 $0x16100  }
0xaf: {  	[tilespmem:s7], [sflag:$0x4] =	stream.indirect_vreg.gather [hbm4b:s6+s3], $0x80, v4, vm0, $0xb8;
	[tilespmem:$0x18100] =	vst v63  }
0xb0: {  	s19 =	simm.s32 $0x16900  }
0xb1: {  	[tilespmem:s19], [sflag:$0x4] =	stream.indirect_vreg.gather [hbm4b:s1+s3], $0x80, v3, vm0, $0xb8;
	[tilespmem:$0x18100] =	vst v63  }
0xb2: {  	s7 =	simm.s32 $0x17100  }
0xb3: {  	[tilespmem:s7], [sflag:$0x4] =	stream.indirect_vreg.gather [hbm4b:s5+s3], $0x80, v3, vm0, $0xb8;
	[tilespmem:$0x18100] =	vst v63  }
0xb4: {  	s0 =	simm.s32 $0x1;
	s19 =	simm.s32 $0x17900  }
0xb5: {  	[tilespmem:s19], [sflag:$0x4] =	stream.indirect_vreg.gather [hbm4b:s6+s3], $0x80, v3, vm0, $0xb8;
	[tilespmem:$0x18100] =	vst v63  }
0xb6: {  	_ =	swait.ge [sflag:s0], $0x6000  }
0xb7: {  	[sflag:s0] =	ssyncset.done $0x0  }
0xb8: {  	s7 =	simm.s32 $0x100;
	s19 =	rddreg [dreg:$0xe];
	[sflag:s0] =	ssyncadd.s32 $0xFFFFA000  }
0xb9: {  	[hbm4b:s19+s3] =	stream.linear.scatter [tilespmem:s7], [sflag:$0x5], $0x6000, $0x38;
	[tilespmem:$0x18100] =	vst v63  }
0xba: {  	_ =	swait.ge [sflag:s2], $0x6000  }
0xbb: {  	[sflag:s2] =	ssyncset.done $0x0  }
0xbc: {  	[sflag:s2] =	ssyncadd.s32 $0xFFFFA000  }
0xbd: {  	v3 =	vld [tilespmem:$0x80];
	_ =	sdelay $0x4  }
0xbe: {  	v56 =	vshrl.u32 v3, $0x3  }
0xbf: {  	v4 =	vmul.u32 $0x30, v56  }
0xc0: {  	v3 =	vand.u32 $0x7, v3  }
0xc1: {  	v3 =	vor.u32 v3, v4  }
0xc2: {  	v4 =	vperm.xlane v3, v0;
	_ =	sdelay $0x1  }
0xc3: {  	v4 =	vadd.s32 v1, v4;
	_ =	sdelay $0x3  }
0xc4: {  	v3 =	vperm.xlane v3, v2  }
0xc5: {  	[tilespmem:s7], [sflag:$0x1] =	stream.indirect_vreg.gather [hbm4b:s1+s3], $0x80, v4, vm0, $0xb8;
	[tilespmem:$0x18100] =	vst v63  }
0xc6: {  	v3 =	vadd.s32 v1, v3  }
0xc7: {  	[tilespmem:s20], [sflag:$0x1] =	stream.indirect_vreg.gather [hbm4b:s5+s3], $0x80, v4, vm0, $0xb8;
	[tilespmem:$0x18100] =	vst v63  }
0xc8: {  	_ = 	snop  }
0xc9: {  	[tilespmem:s23], [sflag:$0x1] =	stream.indirect_vreg.gather [hbm4b:s6+s3], $0x80, v4, vm0, $0xb8;
	[tilespmem:$0x18100] =	vst v63  }
0xca: {  	_ = 	snop  }
0xcb: {  	[tilespmem:s24], [sflag:$0x1] =	stream.indirect_vreg.gather [hbm4b:s1+s3], $0x80, v3, vm0, $0xb8;
	[tilespmem:$0x18100] =	vst v63  }
0xcc: {  	_ = 	snop  }
0xcd: {  	[tilespmem:s25], [sflag:$0x1] =	stream.indirect_vreg.gather [hbm4b:s5+s3], $0x80, v3, vm0, $0xb8;
	[tilespmem:$0x18100] =	vst v63  }
0xce: {  	_ = 	snop  }
0xcf: {  	[tilespmem:s26], [sflag:$0x1] =	stream.indirect_vreg.gather [hbm4b:s6+s3], $0x80, v3, vm0, $0xb8;
	[tilespmem:$0x18100] =	vst v63  }
0xd0: {  	v3 =	vld [tilespmem:$0x90];
	_ =	sdelay $0x4  }
0xd1: {  	v57 =	vshrl.u32 v3, $0x3  }
0xd2: {  	v4 =	vmul.u32 $0x30, v57  }
0xd3: {  	v3 =	vand.u32 $0x7, v3  }
0xd4: {  	v3 =	vor.u32 v3, v4  }
0xd5: {  	v4 =	vperm.xlane v3, v0;
	_ =	sdelay $0x1  }
0xd6: {  	v4 =	vadd.s32 v1, v4;
	_ =	sdelay $0x3  }
0xd7: {  	v3 =	vperm.xlane v3, v2  }
0xd8: {  	[tilespmem:s28], [sflag:$0x1] =	stream.indirect_vreg.gather [hbm4b:s1+s3], $0x80, v4, vm0, $0xb8;
	[tilespmem:$0x18100] =	vst v63  }
0xd9: {  	v3 =	vadd.s32 v1, v3  }
0xda: {  	[tilespmem:s29], [sflag:$0x1] =	stream.indirect_vreg.gather [hbm4b:s5+s3], $0x80, v4, vm0, $0xb8;
	[tilespmem:$0x18100] =	vst v63  }
0xdb: {  	_ = 	snop  }
0xdc: {  	[tilespmem:s30], [sflag:$0x1] =	stream.indirect_vreg.gather [hbm4b:s6+s3], $0x80, v4, vm0, $0xb8;
	[tilespmem:$0x18100] =	vst v63  }
0xdd: {  	_ = 	snop  }
0xde: {  	[tilespmem:s31], [sflag:$0x1] =	stream.indirect_vreg.gather [hbm4b:s1+s3], $0x80, v3, vm0, $0xb8;
	[tilespmem:$0x18100] =	vst v63  }
0xdf: {  	_ = 	snop  }
0xe0: {  	[tilespmem:s9], [sflag:$0x1] =	stream.indirect_vreg.gather [hbm4b:s5+s3], $0x80, v3, vm0, $0xb8;
	[tilespmem:$0x18100] =	vst v63  }
0xe1: {  	_ = 	snop  }
0xe2: {  	[tilespmem:s8], [sflag:$0x1] =	stream.indirect_vreg.gather [hbm4b:s6+s3], $0x80, v3, vm0, $0xb8;
	[tilespmem:$0x18100] =	vst v63  }
0xe3: {  	s8 =	simm.s32 $0x2  }
0xe4: {  	_ =	swait.ge [sflag:s8], $0x6000  }
0xe5: {  	s23 =	simm.s32 $0x6100;
	[sflag:s8] =	ssyncset.done $0x0  }
0xe6: {  	s9 =	simm.s32 $0x6;
	s20 =	rddreg [dreg:$0x5];
	[sflag:s8] =	ssyncadd.s32 $0xFFFFA000  }
0xe7: {  	[hbm4b:s20+s3] =	stream.linear.scatter [tilespmem:s23], [sflag:$0x6], $0x6000, $0x38;
	[tilespmem:$0x18100] =	vst v63  }
0xe8: {  	_ =	swait.ge [sflag:s9], $0x6000  }
0xe9: {  	[sflag:s9] =	ssyncset.done $0x0  }
0xea: {  	[sflag:s9] =	ssyncadd.s32 $0xFFFFA000  }
0xeb: {  	v3 =	vld [tilespmem:$0xA0];
	_ =	sdelay $0x4  }
0xec: {  	v58 =	vshrl.u32 v3, $0x3  }
0xed: {  	v4 =	vmul.u32 $0x30, v58  }
0xee: {  	v3 =	vand.u32 $0x7, v3  }
0xef: {  	v3 =	vor.u32 v3, v4  }
0xf0: {  	v4 =	vperm.xlane v3, v0;
	_ =	sdelay $0x1  }
0xf1: {  	v4 =	vadd.s32 v1, v4;
	_ =	sdelay $0x3  }
0xf2: {  	v3 =	vperm.xlane v3, v2  }
0xf3: {  	[tilespmem:s23], [sflag:$0x2] =	stream.indirect_vreg.gather [hbm4b:s1+s3], $0x80, v4, vm0, $0xb8;
	[tilespmem:$0x18100] =	vst v63  }
0xf4: {  	v3 =	vadd.s32 v1, v3  }
0xf5: {  	[tilespmem:s18], [sflag:$0x2] =	stream.indirect_vreg.gather [hbm4b:s5+s3], $0x80, v4, vm0, $0xb8;
	[tilespmem:$0x18100] =	vst v63  }
0xf6: {  	s20 =	simm.s32 $0x7100  }
0xf7: {  	[tilespmem:s20], [sflag:$0x2] =	stream.indirect_vreg.gather [hbm4b:s6+s3], $0x80, v4, vm0, $0xb8;
	[tilespmem:$0x18100] =	vst v63  }
0xf8: {  	s23 =	simm.s32 $0x7900  }
0xf9: {  	[tilespmem:s23], [sflag:$0x2] =	stream.indirect_vreg.gather [hbm4b:s1+s3], $0x80, v3, vm0, $0xb8;
	[tilespmem:$0x18100] =	vst v63  }
0xfa: {  	_ = 	snop  }
0xfb: {  	[tilespmem:s22], [sflag:$0x2] =	stream.indirect_vreg.gather [hbm4b:s5+s3], $0x80, v3, vm0, $0xb8;
	[tilespmem:$0x18100] =	vst v63  }
0xfc: {  	_ = 	snop  }
0xfd: {  	[tilespmem:s11], [sflag:$0x2] =	stream.indirect_vreg.gather [hbm4b:s6+s3], $0x80, v3, vm0, $0xb8;
	[tilespmem:$0x18100] =	vst v63  }
0xfe: {  	v3 =	vld [tilespmem:$0xB0];
	_ =	sdelay $0x4  }
0xff: {  	v59 =	vshrl.u32 v3, $0x3  }
0x100: {  	v4 =	vmul.u32 $0x30, v59  }
0x101: {  	v3 =	vand.u32 $0x7, v3  }
0x102: {  	v3 =	vor.u32 v3, v4  }
0x103: {  	v4 =	vperm.xlane v3, v0;
	_ =	sdelay $0x1  }
0x104: {  	v4 =	vadd.s32 v1, v4;
	_ =	sdelay $0x3  }
0x105: {  	v3 =	vperm.xlane v3, v2  }
0x106: {  	[tilespmem:s12], [sflag:$0x2] =	stream.indirect_vreg.gather [hbm4b:s1+s3], $0x80, v4, vm0, $0xb8;
	[tilespmem:$0x18100] =	vst v63  }
0x107: {  	v3 =	vadd.s32 v1, v3  }
0x108: {  	[tilespmem:s21], [sflag:$0x2] =	stream.indirect_vreg.gather [hbm4b:s5+s3], $0x80, v4, vm0, $0xb8;
	[tilespmem:$0x18100] =	vst v63  }
0x109: {  	_ = 	snop  }
0x10a: {  	[tilespmem:s13], [sflag:$0x2] =	stream.indirect_vreg.gather [hbm4b:s6+s3], $0x80, v4, vm0, $0xb8;
	[tilespmem:$0x18100] =	vst v63  }
0x10b: {  	_ = 	snop  }
0x10c: {  	[tilespmem:s14], [sflag:$0x2] =	stream.indirect_vreg.gather [hbm4b:s1+s3], $0x80, v3, vm0, $0xb8;
	[tilespmem:$0x18100] =	vst v63  }
0x10d: {  	_ = 	snop  }
0x10e: {  	[tilespmem:s15], [sflag:$0x2] =	stream.indirect_vreg.gather [hbm4b:s5+s3], $0x80, v3, vm0, $0xb8;
	[tilespmem:$0x18100] =	vst v63  }
0x10f: {  	s11 =	simm.s32 $0x3  }
0x110: {  	[tilespmem:s16], [sflag:$0x2] =	stream.indirect_vreg.gather [hbm4b:s6+s3], $0x80, v3, vm0, $0xb8;
	[tilespmem:$0x18100] =	vst v63  }
0x111: {  	_ =	swait.ge [sflag:s11], $0x6000  }
0x112: {  	[sflag:s11] =	ssyncset.done $0x0  }
0x113: {  	s12 =	simm.s32 $0x7;
	s15 =	rddreg [dreg:$0x6];
	[sflag:s11] =	ssyncadd.s32 $0xFFFFA000  }
0x114: {  	[hbm4b:s15+s3] =	stream.linear.scatter [tilespmem:s17], [sflag:$0x7], $0x6000, $0x38;
	[tilespmem:$0x18100] =	vst v63  }
0x115: {  	_ =	swait.ge [sflag:s12], $0x6000  }
0x116: {  	[sflag:s12] =	ssyncset.done $0x0  }
0x117: {  	[sflag:s12] =	ssyncadd.s32 $0xFFFFA000  }
0x118: {  	v3 =	vld [tilespmem:$0xC0];
	_ =	sdelay $0x4  }
0x119: {  	v60 =	vshrl.u32 v3, $0x3  }
0x11a: {  	v4 =	vmul.u32 $0x30, v60  }
0x11b: {  	v3 =	vand.u32 $0x7, v3  }
0x11c: {  	v3 =	vor.u32 v3, v4  }
0x11d: {  	v4 =	vperm.xlane v3, v0;
	_ =	sdelay $0x1  }
0x11e: {  	v4 =	vadd.s32 v1, v4;
	_ =	sdelay $0x3  }
0x11f: {  	v3 =	vperm.xlane v3, v2  }
0x120: {  	[tilespmem:s17], [sflag:$0x3] =	stream.indirect_vreg.gather [hbm4b:s1+s3], $0x80, v4, vm0, $0xb8;
	[tilespmem:$0x18100] =	vst v63  }
0x121: {  	s18 =	simm.s32 $0xC900;
	v3 =	vadd.s32 v1, v3  }
0x122: {  	[tilespmem:s18], [sflag:$0x3] =	stream.indirect_vreg.gather [hbm4b:s5+s3], $0x80, v4, vm0, $0xb8;
	[tilespmem:$0x18100] =	vst v63  }
0x123: {  	s19 =	simm.s32 $0xD100  }
0x124: {  	[tilespmem:s19], [sflag:$0x3] =	stream.indirect_vreg.gather [hbm4b:s6+s3], $0x80, v4, vm0, $0xb8;
	[tilespmem:$0x18100] =	vst v63  }
0x125: {  	s20 =	simm.s32 $0xD900  }
0x126: {  	[tilespmem:s20], [sflag:$0x3] =	stream.indirect_vreg.gather [hbm4b:s1+s3], $0x80, v3, vm0, $0xb8;
	[tilespmem:$0x18100] =	vst v63  }
0x127: {  	s23 =	simm.s32 $0xE100  }
0x128: {  	[tilespmem:s23], [sflag:$0x3] =	stream.indirect_vreg.gather [hbm4b:s5+s3], $0x80, v3, vm0, $0xb8;
	[tilespmem:$0x18100] =	vst v63  }
0x129: {  	s14 =	simm.s32 $0xE900  }
0x12a: {  	[tilespmem:s14], [sflag:$0x3] =	stream.indirect_vreg.gather [hbm4b:s6+s3], $0x80, v3, vm0, $0xb8;
	[tilespmem:$0x18100] =	vst v63  }
0x12b: {  	v3 =	vld [tilespmem:$0xD0];
	_ =	sdelay $0x4  }
0x12c: {  	v61 =	vshrl.u32 v3, $0x3  }
0x12d: {  	v4 =	vmul.u32 $0x30, v61  }
0x12e: {  	v3 =	vand.u32 $0x7, v3  }
0x12f: {  	v3 =	vor.u32 v3, v4  }
0x130: {  	v4 =	vperm.xlane v3, v0;
	_ =	sdelay $0x1  }
0x131: {  	v4 =	vadd.s32 v1, v4;
	_ =	sdelay $0x3  }
0x132: {  	s15 =	simm.s32 $0xF100;
	v3 =	vperm.xlane v3, v2  }
0x133: {  	[tilespmem:s15], [sflag:$0x3] =	stream.indirect_vreg.gather [hbm4b:s1+s3], $0x80, v4, vm0, $0xb8;
	[tilespmem:$0x18100] =	vst v63  }
0x134: {  	s18 =	simm.s32 $0xF900;
	v3 =	vadd.s32 v1, v3  }
0x135: {  	[tilespmem:s18], [sflag:$0x3] =	stream.indirect_vreg.gather [hbm4b:s5+s3], $0x80, v4, vm0, $0xb8;
	[tilespmem:$0x18100] =	vst v63  }
0x136: {  	s19 =	simm.s32 $0x10100  }
0x137: {  	[tilespmem:s19], [sflag:$0x3] =	stream.indirect_vreg.gather [hbm4b:s6+s3], $0x80, v4, vm0, $0xb8;
	[tilespmem:$0x18100] =	vst v63  }
0x138: {  	s20 =	simm.s32 $0x10900  }
0x139: {  	[tilespmem:s20], [sflag:$0x3] =	stream.indirect_vreg.gather [hbm4b:s1+s3], $0x80, v3, vm0, $0xb8;
	[tilespmem:$0x18100] =	vst v63  }
0x13a: {  	s23 =	simm.s32 $0x11100  }
0x13b: {  	[tilespmem:s23], [sflag:$0x3] =	stream.indirect_vreg.gather [hbm4b:s5+s3], $0x80, v3, vm0, $0xb8;
	[tilespmem:$0x18100] =	vst v63  }
0x13c: {  	s13 =	simm.s32 $0x4;
	s14 =	simm.s32 $0x11900  }
0x13d: {  	[tilespmem:s14], [sflag:$0x3] =	stream.indirect_vreg.gather [hbm4b:s6+s3], $0x80, v3, vm0, $0xb8;
	[tilespmem:$0x18100] =	vst v63  }
0x13e: {  	_ =	swait.ge [sflag:s13], $0x6000  }
0x13f: {  	[sflag:s13] =	ssyncset.done $0x0  }
0x140: {  	s14 =	simm.s32 $0x8;
	s15 =	rddreg [dreg:$0x7];
	[sflag:s13] =	ssyncadd.s32 $0xFFFFA000  }
0x141: {  	[hbm4b:s15+s3] =	stream.linear.scatter [tilespmem:s4], [sflag:$0x8], $0x6000, $0x38;
	[tilespmem:$0x18100] =	vst v63  }
0x142: {  	_ =	swait.ge [sflag:s14], $0x6000  }
0x143: {  	[sflag:s14] =	ssyncset.done $0x0  }
0x144: {  	[sflag:s14] =	ssyncadd.s32 $0xFFFFA000  }
0x145: {  	v3 =	vld [tilespmem:$0xE0];
	_ =	sdelay $0x4  }
0x146: {  	v62 =	vshrl.u32 v3, $0x3  }
0x147: {  	v4 =	vmul.u32 $0x30, v62  }
0x148: {  	v3 =	vand.u32 $0x7, v3  }
0x149: {  	v3 =	vor.u32 v3, v4  }
0x14a: {  	v4 =	vperm.xlane v3, v0;
	_ =	sdelay $0x1  }
0x14b: {  	v4 =	vadd.s32 v1, v4;
	_ =	sdelay $0x3  }
0x14c: {  	v3 =	vperm.xlane v3, v2  }
0x14d: {  	[tilespmem:s4], [sflag:$0x4] =	stream.indirect_vreg.gather [hbm4b:s1+s3], $0x80, v4, vm0, $0xb8;
	[tilespmem:$0x18100] =	vst v63  }
0x14e: {  	s18 =	simm.s32 $0x12900;
	v3 =	vadd.s32 v1, v3  }
0x14f: {  	[tilespmem:s18], [sflag:$0x4] =	stream.indirect_vreg.gather [hbm4b:s5+s3], $0x80, v4, vm0, $0xb8;
	[tilespmem:$0x18100] =	vst v63  }
0x150: {  	s19 =	simm.s32 $0x13100  }
0x151: {  	[tilespmem:s19], [sflag:$0x4] =	stream.indirect_vreg.gather [hbm4b:s6+s3], $0x80, v4, vm0, $0xb8;
	[tilespmem:$0x18100] =	vst v63  }
0x152: {  	s20 =	simm.s32 $0x13900  }
0x153: {  	[tilespmem:s20], [sflag:$0x4] =	stream.indirect_vreg.gather [hbm4b:s1+s3], $0x80, v3, vm0, $0xb8;
	[tilespmem:$0x18100] =	vst v63  }
0x154: {  	s23 =	simm.s32 $0x14100  }
0x155: {  	[tilespmem:s23], [sflag:$0x4] =	stream.indirect_vreg.gather [hbm4b:s5+s3], $0x80, v3, vm0, $0xb8;
	[tilespmem:$0x18100] =	vst v63  }
0x156: {  	s18 =	simm.s32 $0x14900  }
0x157: {  	[tilespmem:s18], [sflag:$0x4] =	stream.indirect_vreg.gather [hbm4b:s6+s3], $0x80, v3, vm0, $0xb8;
	[tilespmem:$0x18100] =	vst v63  }
0x158: {  	v3 =	vld [tilespmem:$0xF0];
	_ =	sdelay $0x4  }
0x159: {  	v63 =	vshrl.u32 v3, $0x3  }
0x15a: {  	v4 =	vmul.u32 $0x30, v63  }
0x15b: {  	v3 =	vand.u32 $0x7, v3  }
0x15c: {  	v3 =	vor.u32 v3, v4  }
0x15d: {  	v4 =	vperm.xlane v3, v0;
	_ =	sdelay $0x1  }
0x15e: {  	v4 =	vadd.s32 v1, v4;
	_ =	sdelay $0x3  }
0x15f: {  	s19 =	simm.s32 $0x15100;
	v3 =	vperm.xlane v3, v2  }
0x160: {  	[tilespmem:s19], [sflag:$0x4] =	stream.indirect_vreg.gather [hbm4b:s1+s3], $0x80, v4, vm0, $0xb8;
	[tilespmem:$0x18100] =	vst v63  }
0x161: {  	s20 =	simm.s32 $0x15900;
	v3 =	vadd.s32 v1, v3  }
0x162: {  	[tilespmem:s20], [sflag:$0x4] =	stream.indirect_vreg.gather [hbm4b:s5+s3], $0x80, v4, vm0, $0xb8;
	[tilespmem:$0x18100] =	vst v63  }
0x163: {  	s23 =	simm.s32 $0x16100  }
0x164: {  	[tilespmem:s23], [sflag:$0x4] =	stream.indirect_vreg.gather [hbm4b:s6+s3], $0x80, v4, vm0, $0xb8;
	[tilespmem:$0x18100] =	vst v63  }
0x165: {  	s18 =	simm.s32 $0x16900  }
0x166: {  	[tilespmem:s18], [sflag:$0x4] =	stream.indirect_vreg.gather [hbm4b:s1+s3], $0x80, v3, vm0, $0xb8;
	[tilespmem:$0x18100] =	vst v63  }
0x167: {  	s19 =	simm.s32 $0x17100  }
0x168: {  	[tilespmem:s19], [sflag:$0x4] =	stream.indirect_vreg.gather [hbm4b:s5+s3], $0x80, v3, vm0, $0xb8;
	[tilespmem:$0x18100] =	vst v63  }
0x169: {  	s20 =	simm.s32 $0x17900  }
0x16a: {  	[tilespmem:s20], [sflag:$0x4] =	stream.indirect_vreg.gather [hbm4b:s6+s3], $0x80, v3, vm0, $0xb8;
	[tilespmem:$0x18100] =	vst v63  }
0x16b: {  	_ =	swait.ge [sflag:s0], $0x6000  }
0x16c: {  	[sflag:s0] =	ssyncset.done $0x0  }
0x16d: {  	s15 =	simm.s32 $0x100;
	s23 =	rddreg [dreg:$0x8];
	[sflag:s0] =	ssyncadd.s32 $0xFFFFA000  }
0x16e: {  	[hbm4b:s23+s3] =	stream.linear.scatter [tilespmem:s15], [sflag:$0x5], $0x6000, $0x38;
	[tilespmem:$0x18100] =	vst v63  }
0x16f: {  	_ =	swait.ge [sflag:s8], $0x6000  }
0x170: {  	[sflag:s8] =	ssyncset.done $0x0  }
0x171: {  	s7 =	simm.s32 $0x6100;
	s18 =	rddreg [dreg:$0x9];
	[sflag:s8] =	ssyncadd.s32 $0xFFFFA000  }
0x172: {  	[hbm4b:s18+s3] =	stream.linear.scatter [tilespmem:s7], [sflag:$0x6], $0x6000, $0x38;
	[tilespmem:$0x18100] =	vst v63  }
0x173: {  	_ =	swait.ge [sflag:s11], $0x6000  }
0x174: {  	[sflag:s11] =	ssyncset.done $0x0  }
0x175: {  	s20 =	rddreg [dreg:$0xa];
	[sflag:s11] =	ssyncadd.s32 $0xFFFFA000  }
0x176: {  	[hbm4b:s20+s3] =	stream.linear.scatter [tilespmem:s17], [sflag:$0x7], $0x6000, $0x38;
	[tilespmem:$0x18100] =	vst v63  }
0x177: {  	_ =	swait.ge [sflag:s13], $0x6000  }
0x178: {  	[sflag:s13] =	ssyncset.done $0x0  }
0x179: {  	s23 =	rddreg [dreg:$0xb];
	[sflag:s13] =	ssyncadd.s32 $0xFFFFA000  }
0x17a: {  	[hbm4b:s23+s3] =	stream.linear.scatter [tilespmem:s4], [sflag:$0x8], $0x6000, $0x38;
	[tilespmem:$0x18100] =	vst v63  }
0x17b: {  	_ =	swait.ge [sflag:s2], $0x6000  }
0x17c: {  	[sflag:s2] =	ssyncset.done $0x0  }
0x17d: {  	[sflag:s2] =	ssyncadd.s32 $0xFFFFA000  }
0x17e: {  	_ =	swait.ge [sflag:s9], $0x6000  }
0x17f: {  	[sflag:s9] =	ssyncset.done $0x0  }
0x180: {  	[sflag:s9] =	ssyncadd.s32 $0xFFFFA000  }
0x181: {  	p0 =	sne.s32 s10, $0x1;
	_ =	swait.ge [sflag:s12], $0x6000  }
.Ltmp0:
0x182: {  	[sflag:s12] =	ssyncset.done $0x0;
	(pc) =	sbr.rel @p0 .LBB2_1-.Ltmp0, $4  }
0x183: {  	[sflag:s12] =	ssyncadd.s32 $0xFFFFA000  }
0x184: {  	_ =	swait.ge [sflag:s14], $0x6000  }
0x185: {  	[sflag:s14] =	ssyncset.done $0x0  }
0x186: {  	s10 =	sadd.s32 $0xFFFFFFFF, s10;
	[sflag:s14] =	ssyncadd.s32 $0xFFFFA000  }
0x187: {  	_ =	sfence.sel $0x180000  }
0x188: {  	[bflag:$0x0] =	sbarrier.arrive $0xFFFF  }
0x189: {  	_ =	strace $0x90000047  }
0x18a: {  	s0 =	stileid.u32;
	[bflag:$0x2] =	sbarrier.arrive $0xFFFF  }
0x18b: {  	p0 =	sne.s32 s0, $0x0;
	s0 =	rddreg [dreg:$0x3]  }
0x18c: {  	s0 =	sadd.s32 @!p0 $0x100000, s0  }
0x18d: {  	[sflag:s0] =	ssyncadd.tile.s32 @!p0 $0x1;
	_ =	shalt  }
.Lfunc_end2:
_tile_overlayer_lowered:
.L_overlay_start_2:
0x18e: {  	(tag) =	ssettag $0x2  }
0x18f: {  	s0 =	rddreg [dreg:$0x0];
	s2 =	stileid.u32  }
0x190: {  	s1 =	rddreg [dreg:$0x1];
	p0 =	sne.s32 s2, $0x0  }
0x191: {  	s3 =	rddreg [dreg:$0x2];
	[bflag:$0x3] =	sbarrier.arrive $0xFFFF;
	s2 =	simm.s32 @!p0 $0x1C09  }
0x192: {  	[timem:s3], [sflag:s2] =	dma.local @!p0 [hbm:s0], s1  }
0x193: {  	s0 =	simm.s32 @!p0 $0x9  }
0x194: {  	_ =	swait.ge @!p0 [sflag:s0], s1  }
0x195: {  	s1 =	ssub.s32 @!p0 $0x0, s1;
	[sflag:s0] =	ssyncset.done @!p0 $0x0  }
0x196: {  	[sflag:s0] =	ssyncadd.s32 @!p0 s1  }
0x197: {  	[bflag:$0x3] =	sbarrier.arrive $0xFFFF  }
0x198: {  	_ =	shalt  }

</sc_bundles>
